<compile_context>
chip_gen: v7x
topology: tpu7x:2x2x1
jax: 0.10.2.dev20260603
libtpu: 0.0.44.dev20260713+nightly
codegen_flags: <defaults>
</compile_context>

<pallas_src>
import functools

import jax
import jax.numpy as jnp
from jax import lax
from jax.experimental import pallas as pl
from jax.experimental.pallas import tpu as pltpu
from jax.experimental.pallas import tpu_sc as plsc

N_NODES = 10000
N_EDGES = 320000
D = 128

NC = 2
NS = 16
NW = NC * NS
N_PAD = 10112
ROWS_PER_TILE = N_PAD // NS
PAD_SPREAD = N_PAD - N_NODES

EPT = N_EDGES // NW
CHUNK = 112
NCHUNK = 90
EPT_PAD = NCHUNK * CHUNK
PHASE = 15
NPHASE = NCHUNK // PHASE
NBUF = 3

_sc_mesh = plsc.VectorSubcoreMesh(core_axis_name="c", subcore_axis_name="s")



def _deg_body(dst_hbm, zeros_hbm, out_hbm, idx_v, ones_v, acc_sh,
              d0, d1, d2):
    dsem = [d0, d1, d2]
    c = lax.axis_index("c")
    s = lax.axis_index("s")
    for j in range(CHUNK // 16):
        ones_v[pl.ds(j * 16, 16)] = jnp.ones((16,), jnp.float32)

    @pl.when(s == 0)
    def _():
        pltpu.sync_copy(zeros_hbm, acc_sh)

    wid = c * NS + s
    pltpu.sync_copy(dst_hbm.at[wid], idx_v)
    plsc.subcore_barrier()

    def step(k, carry):
        i = k * NBUF
        scatters = [
            pltpu.async_copy(ones_v, acc_sh.at[idx_v.at[i + b]], dsem[b],
                             add=True)
            for b in range(NBUF)
        ]
        for b in range(NBUF):
            scatters[b].wait()
        return carry

    lax.fori_loop(0, NCHUNK // NBUF, step, 0)
    plsc.subcore_barrier()

    @pl.when(s == 0)
    def _():
        pltpu.sync_copy(acc_sh, out_hbm.at[c])


_deg_kernel = functools.partial(
    pl.kernel,
    out_type=jax.ShapeDtypeStruct((NC, N_PAD), jnp.float32),
    mesh=_sc_mesh,
    scratch_types=[
        pltpu.VMEM((NCHUNK, CHUNK), jnp.int32),
        pltpu.VMEM((CHUNK,), jnp.float32),
        pltpu.VMEM_SHARED((N_PAD,), jnp.float32),
        pltpu.SemaphoreType.DMA,
        pltpu.SemaphoreType.DMA,
        pltpu.SemaphoreType.DMA,
    ],
)(_deg_body)



def _agg_body(u_hbm, src_hbm, dst_hbm, zeros_hbm, out_hbm,
              src_v, dst_v, rows0, rows1, rows2, acc_sh,
              g0, g1, g2, t0, t1, t2):
    rows = [rows0, rows1, rows2]
    gsem = [g0, g1, g2]
    ssem = [t0, t1, t2]
    c = lax.axis_index("c")
    s = lax.axis_index("s")
    r0 = s * ROWS_PER_TILE
    pltpu.sync_copy(zeros_hbm.at[pl.ds(r0, ROWS_PER_TILE)],
                    acc_sh.at[pl.ds(r0, ROWS_PER_TILE)])
    wid = c * NS + s
    plsc.subcore_barrier()

    def phase(p, carry):
        pltpu.sync_copy(src_hbm.at[wid, p], src_v)
        pltpu.sync_copy(dst_hbm.at[wid, p], dst_v)

        def triple(k, carry2):
            i = k * NBUF
            gathers = [
                pltpu.async_copy(u_hbm.at[src_v.at[i + b]], rows[b], gsem[b])
                for b in range(NBUF)
            ]
            scatters = []
            for b in range(NBUF):
                gathers[b].wait()
                scatters.append(pltpu.async_copy(
                    rows[b], acc_sh.at[dst_v.at[i + b]], ssem[b], add=True))
            for b in range(NBUF):
                scatters[b].wait()
            return carry2

        lax.fori_loop(0, PHASE // NBUF, triple, 0)
        return carry

    lax.fori_loop(0, NPHASE, phase, 0)
    plsc.subcore_barrier()
    pltpu.sync_copy(acc_sh.at[pl.ds(r0, ROWS_PER_TILE)],
                    out_hbm.at[c, pl.ds(r0, ROWS_PER_TILE)])


_agg_kernel = functools.partial(
    pl.kernel,
    out_type=jax.ShapeDtypeStruct((NC, N_PAD, D), jnp.float32),
    mesh=_sc_mesh,
    scratch_types=[
        pltpu.VMEM((PHASE, CHUNK), jnp.int32),
        pltpu.VMEM((PHASE, CHUNK), jnp.int32),
        pltpu.VMEM((CHUNK, D), jnp.float32),
        pltpu.VMEM((CHUNK, D), jnp.float32),
        pltpu.VMEM((CHUNK, D), jnp.float32),
        pltpu.VMEM_SHARED((N_PAD, D), jnp.float32),
        pltpu.SemaphoreType.DMA,
        pltpu.SemaphoreType.DMA,
        pltpu.SemaphoreType.DMA,
        pltpu.SemaphoreType.DMA,
        pltpu.SemaphoreType.DMA,
        pltpu.SemaphoreType.DMA,
    ],
)(_agg_body)



ROW_BLK = 1264
GRID = N_PAD // ROW_BLK


def _dinv_of(degp_blk):
    deg = degp_blk[:, 0] + degp_blk[:, 1] + 1.0
    return lax.rsqrt(deg)


def _tc1_body(x_ref, w_ref, degp_ref, u_ref):
    dinv = _dinv_of(degp_ref)
    h = jnp.dot(x_ref[...], w_ref[...], preferred_element_type=jnp.float32)
    u_ref[...] = h * dinv[:, None]


def _tc2_body(aggp_ref, u1_ref, degp_ref, w_ref, b_ref, u2_ref):
    dinv = _dinv_of(degp_ref)
    enc = (aggp_ref[0] + aggp_ref[1] + u1_ref[...]) * dinv[:, None] + b_ref[...]
    h2 = jnp.dot(enc, w_ref[...], preferred_element_type=jnp.float32)
    u2_ref[...] = h2 * dinv[:, None]


def _tc3_body(aggp_ref, u2_ref, degp_ref, b_ref, out_ref):
    dinv = _dinv_of(degp_ref)
    out_ref[...] = ((aggp_ref[0] + aggp_ref[1] + u2_ref[...]) * dinv[:, None]
                    + b_ref[...])


_rowblk = pl.BlockSpec((ROW_BLK, D), lambda i: (i, 0))
_wblk = pl.BlockSpec((D, D), lambda i: (0, 0))
_bblk = pl.BlockSpec((1, D), lambda i: (0, 0))
_degblk = pl.BlockSpec((ROW_BLK, NC), lambda i: (i, 0))
_aggblk = pl.BlockSpec((NC, ROW_BLK, D), lambda i: (0, i, 0))
_out_rows = jax.ShapeDtypeStruct((N_PAD, D), jnp.float32)

_tc1 = pl.pallas_call(
    _tc1_body,
    grid=(GRID,),
    in_specs=[_rowblk, _wblk, _degblk],
    out_specs=_rowblk,
    out_shape=_out_rows,
)

_tc2 = pl.pallas_call(
    _tc2_body,
    grid=(GRID,),
    in_specs=[_aggblk, _rowblk, _degblk, _wblk, _bblk],
    out_specs=_rowblk,
    out_shape=_out_rows,
)

_tc3 = pl.pallas_call(
    _tc3_body,
    grid=(GRID,),
    in_specs=[_aggblk, _rowblk, _degblk, _bblk],
    out_specs=_rowblk,
    out_shape=_out_rows,
)


def _pad_edges(e):
    e2 = e.reshape(NW, EPT)
    k = jnp.arange(NW * (EPT_PAD - EPT), dtype=jnp.int32)
    pad = (N_NODES + k % PAD_SPREAD).reshape(NW, EPT_PAD - EPT)
    return jnp.concatenate([e2, pad], axis=1)


def kernel(x, edge_index, W_enc, b_enc, W_dec, b_dec):
    src_flat = _pad_edges(edge_index[0].astype(jnp.int32))
    dst_flat = _pad_edges(edge_index[1].astype(jnp.int32))
    src_p = src_flat.reshape(NW, NPHASE, PHASE, CHUNK)
    dst_p = dst_flat.reshape(NW, NPHASE, PHASE, CHUNK)
    dst_deg = dst_flat.reshape(NW, NCHUNK, CHUNK)
    b_enc2 = b_enc.reshape(1, D)
    b_dec2 = b_dec.reshape(1, D)
    zeros1 = jnp.zeros((N_PAD,), jnp.float32)
    zeros2 = jnp.zeros((N_PAD, D), jnp.float32)
    x_pad = jnp.concatenate(
        [x, jnp.zeros((N_PAD - N_NODES, D), jnp.float32)], axis=0)

    degp = _deg_kernel(dst_deg, zeros1).T
    u1 = _tc1(x_pad, W_enc, degp)
    agg1 = _agg_kernel(u1, src_p, dst_p, zeros2)
    u2 = _tc2(agg1, u1, degp, W_dec, b_enc2)
    agg2 = _agg_kernel(u2, src_p, dst_p, zeros2)
    return _tc3(agg2, u2, degp, b_dec2)[:N_NODES]

# --- scband reference (transcript-rebuilt; emitter-appended) ---
"""Pipeline reference for scband-graph-encdec-5549097746902 (READ-ONLY COPY).

The authoritative reference and input builder live on the scoring server;
editing this copy changes nothing except your own understanding.
"""

import jax, jax.numpy as jnp
import numpy as np

N_NODES = 10000
N_EDGES = 320000
D_IN = 128
D_HID = 128
D_OUT = 128


def setup_inputs(seed: int = 0) -> dict:
    key = jax.random.key(seed)
    k1, k2, k3, k4, k5, k6 = jax.random.split(key, 6)
    x = jax.random.normal(k1, (N_NODES, D_IN), dtype=jnp.float32)
    edge_index = jax.random.randint(k2, (2, N_EDGES), 0, N_NODES, dtype=jnp.int64)
    # GCNConv parameters: encoder GCNConv(enc_out_emb_dim=128 -> 128) and decoder GCNConv(128 -> dec_inp_emb_dim=128)
    W_enc = jax.random.normal(k3, (D_IN, D_HID), dtype=jnp.float32) * (1.0 / np.sqrt(D_IN))
    b_enc = jnp.zeros((D_HID,), dtype=jnp.float32)
    W_dec = jax.random.normal(k4, (D_HID, D_OUT), dtype=jnp.float32) * (1.0 / np.sqrt(D_HID))
    b_dec = jnp.zeros((D_OUT,), dtype=jnp.float32)
    return {"x": x, "edge_index": edge_index, "W_enc": W_enc, "b_enc": b_enc, "W_dec": W_dec, "b_dec": b_dec}


def _gcn_conv(x, src, dst, W, b, n_nodes):
    # GCNConv with self-loops and symmetric normalization (PyG semantics)
    loop = jnp.arange(n_nodes, dtype=src.dtype)
    src2 = jnp.concatenate([src, loop])
    dst2 = jnp.concatenate([dst, loop])
    deg = jnp.zeros((n_nodes,), dtype=x.dtype).at[dst2].add(1.0)
    dinv = jnp.where(deg > 0, jax.lax.rsqrt(jnp.maximum(deg, 1e-12)), 0.0)
    norm = dinv[src2] * dinv[dst2]
    h = x @ W
    msg = jnp.take(h, src2, axis=0) * norm[:, None]
    out = jax.ops.segment_sum(msg, dst2, num_segments=n_nodes)
    return out + b


def reference(x, edge_index, W_enc, b_enc, W_dec, b_dec):
    src = edge_index[0]
    dst = edge_index[1]
    encoded = _gcn_conv(x, src, dst, W_enc, b_enc, N_NODES)
    decoded = _gcn_conv(encoded, src, dst, W_dec, b_dec, N_NODES)
    return decoded

if __name__ == "__main__":
    import jax
    _d = setup_inputs()
    print(jax.jit(kernel)(*tuple(_d.values())))

</pallas_src>

<mosaic_0001>
#map = affine_map<(d0, d1) -> (0, 0, 0)>
#map1 = affine_map<(d0, d1) -> (0)>
#map2 = affine_map<(d0, d1) -> (0, 0)>
module attributes {stable_mosaic.version = 14 : i64} {
  func.func @_deg_body(%arg0: i32, %arg1: i32, %arg2: memref<32x90x112xi32, #tpu.memory_space<hbm>>, %arg3: memref<10112xf32, #tpu.memory_space<hbm>>, %arg4: memref<2x10112xf32, #tpu.memory_space<hbm>>, %arg5: memref<90x112xi32, #tpu.memory_space<vmem>>, %arg6: memref<112xf32, #tpu.memory_space<vmem>>, %arg7: memref<10112xf32, #tpu.memory_space<vmem_shared>>, %arg8: memref<!tpu.dma_semaphore, #tpu.memory_space<semaphore_mem>>, %arg9: memref<!tpu.dma_semaphore, #tpu.memory_space<semaphore_mem>>, %arg10: memref<!tpu.dma_semaphore, #tpu.memory_space<semaphore_mem>>) attributes {dimension_semantics = [#tpu.dimension_semantics<core_parallel>, #tpu.dimension_semantics<subcore_parallel>], iteration_bounds = array<i64: 2, 16>, scalar_prefetch = 0 : i64, scratch_operands = 6 : i64, tpu.core_type = #tpu.core_type<sc_vector_subcore>, window_params = [{transform_indices = #map}, {transform_indices = #map1}, {transform_indices = #map2}]} {
    %broadcast_in_dim3A = arith.constant 1.000000e+00 : f32
    %broadcast_in_dim3A_0 = vector.broadcast %broadcast_in_dim3A : f32 to vector<16xf32>
    %swap3A = arith.constant 0 : index
    %swap3A_1 = tpu.vector_load %arg6[%swap3A] {strides = array<i32>} : memref<112xf32, #tpu.memory_space<vmem>>, vector<16xf32>,
    %swap3A_2 = vector.shape_cast %swap3A_1 : vector<16xf32> to vector<16xf32>
    %swap3A_3 = vector.shape_cast %broadcast_in_dim3A_0 : vector<16xf32> to vector<16xf32>
    tpu.vector_store %arg6[%swap3A], %swap3A_3 {strides = array<i32>} : memref<112xf32, #tpu.memory_space<vmem>>, vector<16xf32>,
    %broadcast_in_dim3A_4 = arith.constant 1.000000e+00 : f32
    %broadcast_in_dim3A_5 = vector.broadcast %broadcast_in_dim3A_4 : f32 to vector<16xf32>
    %swap3A_6 = arith.constant 16 : index
    %swap3A_7 = tpu.vector_load %arg6[%swap3A_6] {strides = array<i32>} : memref<112xf32, #tpu.memory_space<vmem>>, vector<16xf32>,
    %swap3A_8 = vector.shape_cast %swap3A_7 : vector<16xf32> to vector<16xf32>
    %swap3A_9 = vector.shape_cast %broadcast_in_dim3A_5 : vector<16xf32> to vector<16xf32>
    tpu.vector_store %arg6[%swap3A_6], %swap3A_9 {strides = array<i32>} : memref<112xf32, #tpu.memory_space<vmem>>, vector<16xf32>,
    %broadcast_in_dim3A_10 = arith.constant 1.000000e+00 : f32
    %broadcast_in_dim3A_11 = vector.broadcast %broadcast_in_dim3A_10 : f32 to vector<16xf32>
    %swap3A_12 = arith.constant 32 : index
    %swap3A_13 = tpu.vector_load %arg6[%swap3A_12] {strides = array<i32>} : memref<112xf32, #tpu.memory_space<vmem>>, vector<16xf32>,
    %swap3A_14 = vector.shape_cast %swap3A_13 : vector<16xf32> to vector<16xf32>
    %swap3A_15 = vector.shape_cast %broadcast_in_dim3A_11 : vector<16xf32> to vector<16xf32>
    tpu.vector_store %arg6[%swap3A_12], %swap3A_15 {strides = array<i32>} : memref<112xf32, #tpu.memory_space<vmem>>, vector<16xf32>,
    %broadcast_in_dim3A_16 = arith.constant 1.000000e+00 : f32
    %broadcast_in_dim3A_17 = vector.broadcast %broadcast_in_dim3A_16 : f32 to vector<16xf32>
    %swap3A_18 = arith.constant 48 : index
    %swap3A_19 = tpu.vector_load %arg6[%swap3A_18] {strides = array<i32>} : memref<112xf32, #tpu.memory_space<vmem>>, vector<16xf32>,
    %swap3A_20 = vector.shape_cast %swap3A_19 : vector<16xf32> to vector<16xf32>
    %swap3A_21 = vector.shape_cast %broadcast_in_dim3A_17 : vector<16xf32> to vector<16xf32>
    tpu.vector_store %arg6[%swap3A_18], %swap3A_21 {strides = array<i32>} : memref<112xf32, #tpu.memory_space<vmem>>, vector<16xf32>,
    %broadcast_in_dim3A_22 = arith.constant 1.000000e+00 : f32
    %broadcast_in_dim3A_23 = vector.broadcast %broadcast_in_dim3A_22 : f32 to vector<16xf32>
    %swap3A_24 = arith.constant 64 : index
    %swap3A_25 = tpu.vector_load %arg6[%swap3A_24] {strides = array<i32>} : memref<112xf32, #tpu.memory_space<vmem>>, vector<16xf32>,
    %swap3A_26 = vector.shape_cast %swap3A_25 : vector<16xf32> to vector<16xf32>
    %swap3A_27 = vector.shape_cast %broadcast_in_dim3A_23 : vector<16xf32> to vector<16xf32>
    tpu.vector_store %arg6[%swap3A_24], %swap3A_27 {strides = array<i32>} : memref<112xf32, #tpu.memory_space<vmem>>, vector<16xf32>,
    %broadcast_in_dim3A_28 = arith.constant 1.000000e+00 : f32
    %broadcast_in_dim3A_29 = vector.broadcast %broadcast_in_dim3A_28 : f32 to vector<16xf32>
    %swap3A_30 = arith.constant 80 : index
    %swap3A_31 = tpu.vector_load %arg6[%swap3A_30] {strides = array<i32>} : memref<112xf32, #tpu.memory_space<vmem>>, vector<16xf32>,
    %swap3A_32 = vector.shape_cast %swap3A_31 : vector<16xf32> to vector<16xf32>
    %swap3A_33 = vector.shape_cast %broadcast_in_dim3A_29 : vector<16xf32> to vector<16xf32>
    tpu.vector_store %arg6[%swap3A_30], %swap3A_33 {strides = array<i32>} : memref<112xf32, #tpu.memory_space<vmem>>, vector<16xf32>,
    %broadcast_in_dim3A_34 = arith.constant 1.000000e+00 : f32
    %broadcast_in_dim3A_35 = vector.broadcast %broadcast_in_dim3A_34 : f32 to vector<16xf32>
    %swap3A_36 = arith.constant 96 : index
    %swap3A_37 = tpu.vector_load %arg6[%swap3A_36] {strides = array<i32>} : memref<112xf32, #tpu.memory_space<vmem>>, vector<16xf32>,
    %swap3A_38 = vector.shape_cast %swap3A_37 : vector<16xf32> to vector<16xf32>
    %swap3A_39 = vector.shape_cast %broadcast_in_dim3A_35 : vector<16xf32> to vector<16xf32>
    tpu.vector_store %arg6[%swap3A_36], %swap3A_39 {strides = array<i32>} : memref<112xf32, #tpu.memory_space<vmem>>, vector<16xf32>,
    %eq3A = arith.constant 0 : i32
    %eq3A_40 = arith.cmpi eq, %arg1, %eq3A : i32
    %convert_element_type3A = arith.extui %eq3A_40 : i1 to i32
    %cond3A = arith.constant 0 : i32
    %cond3A_41 = arith.cmpi ne, %convert_element_type3A, %cond3A : i32
    scf.if %cond3A_41 {
      "tpu.region"() ({
        %run_scoped3A = tpu.sem_alloc : memref<!tpu.dma_semaphore, #tpu.memory_space<semaphore_mem>>
        tpu.enqueue_dma source(%arg3 : memref<10112xf32, #tpu.memory_space<hbm>>) target(%arg7 : memref<10112xf32, #tpu.memory_space<vmem_shared>>) target_semaphore(%run_scoped3A : memref<!tpu.dma_semaphore, #tpu.memory_space<semaphore_mem>>)
        tpu.wait_dma2 semaphore(%run_scoped3A : memref<!tpu.dma_semaphore, #tpu.memory_space<semaphore_mem>>) src(%arg3 : memref<10112xf32, #tpu.memory_space<hbm>>) dst(%arg7 : memref<10112xf32, #tpu.memory_space<vmem_shared>>)
        tpu.yield
      }) : () -> ()
    } else {
    }
    %mul3A = arith.constant 16 : i32
    %mul3A_42 = arith.muli %arg0, %mul3A : i32
    %add3A = arith.addi %mul3A_42, %arg1 : i32
    "tpu.region"() ({
      %run_scoped3A = tpu.sem_alloc : memref<!tpu.dma_semaphore, #tpu.memory_space<semaphore_mem>>
      %dma_start3A = arith.constant 0 : i32
      %dma_start3A_54 = arith.constant 0 : i32
      %dma_start3A_55 = tpu.memref_slice %arg2[%add3A, %dma_start3A, %dma_start3A_54] : memref<32x90x112xi32, #tpu.memory_space<hbm>> -> memref<1x90x112xi32, #tpu.memory_space<hbm>>
      %dma_start3A_56 = tpu.memref_squeeze %dma_start3A_55 : memref<1x90x112xi32, #tpu.memory_space<hbm>> -> memref<90x112xi32, #tpu.memory_space<hbm>>
      %dma_start3A_57 = arith.constant 0 : i32
      %dma_start3A_58 = arith.constant 0 : i32
      %dma_start3A_59 = tpu.memref_slice %arg2[%add3A, %dma_start3A_57, %dma_start3A_58] : memref<32x90x112xi32, #tpu.memory_space<hbm>> -> memref<1x90x112xi32, #tpu.memory_space<hbm>>
      %dma_start3A_60 = tpu.memref_squeeze %dma_start3A_59 : memref<1x90x112xi32, #tpu.memory_space<hbm>> -> memref<90x112xi32, #tpu.memory_space<hbm>>
      tpu.enqueue_dma source(%dma_start3A_60 : memref<90x112xi32, #tpu.memory_space<hbm>>) target(%arg5 : memref<90x112xi32, #tpu.memory_space<vmem>>) target_semaphore(%run_scoped3A : memref<!tpu.dma_semaphore, #tpu.memory_space<semaphore_mem>>)
      %dma_wait3A = arith.constant 0 : i32
      %dma_wait3A_61 = arith.constant 0 : i32
      %dma_wait3A_62 = tpu.memref_slice %arg2[%add3A, %dma_wait3A, %dma_wait3A_61] : memref<32x90x112xi32, #tpu.memory_space<hbm>> -> memref<1x90x112xi32, #tpu.memory_space<hbm>>
      %dma_wait3A_63 = tpu.memref_squeeze %dma_wait3A_62 : memref<1x90x112xi32, #tpu.memory_space<hbm>> -> memref<90x112xi32, #tpu.memory_space<hbm>>
      %dma_wait3A_64 = arith.constant 0 : i32
      %dma_wait3A_65 = arith.constant 0 : i32
      %dma_wait3A_66 = tpu.memref_slice %arg2[%add3A, %dma_wait3A_64, %dma_wait3A_65] : memref<32x90x112xi32, #tpu.memory_space<hbm>> -> memref<1x90x112xi32, #tpu.memory_space<hbm>>
      %dma_wait3A_67 = tpu.memref_squeeze %dma_wait3A_66 : memref<1x90x112xi32, #tpu.memory_space<hbm>> -> memref<90x112xi32, #tpu.memory_space<hbm>>
      tpu.wait_dma2 semaphore(%run_scoped3A : memref<!tpu.dma_semaphore, #tpu.memory_space<semaphore_mem>>) src(%dma_wait3A_67 : memref<90x112xi32, #tpu.memory_space<hbm>>) dst(%arg5 : memref<90x112xi32, #tpu.memory_space<vmem>>)
      tpu.yield
    }) : () -> ()
    %barrier3A = arith.constant 0 : index
    tpu.barrier barrier_id(%barrier3A)
    %scan3A = arith.constant 0 : i32
    %scan3A_43 = arith.constant 0 : i32
    %scan3A_44 = arith.constant 30 : i32
    %scan3A_45 = arith.addi %scan3A_43, %scan3A_44 : i32
    %scan3A_46 = arith.constant 1 : i32
    scf.for %scan3A_54 = %scan3A_43 to %scan3A_45 step %scan3A_46  : i32 {
      %mul3A_55 = arith.constant 3 : i32
      %mul3A_56 = arith.muli %scan3A_54, %mul3A_55 : i32
      %add3A_57 = arith.constant 0 : i32
      %add3A_58 = arith.addi %mul3A_56, %add3A_57 : i32
      %dma_start3A = arith.constant 0 : i32
      %dma_start3A_59 = tpu.memref_slice %arg5[%add3A_58, %dma_start3A] : memref<90x112xi32, #tpu.memory_space<vmem>> -> memref<1x112xi32, #tpu.memory_space<vmem>>
      %dma_start3A_60 = tpu.memref_squeeze %dma_start3A_59 : memref<1x112xi32, #tpu.memory_space<vmem>> -> memref<112xi32, #tpu.memory_space<vmem>>
      %dma_start3A_61 = arith.constant 0 : i32
      %dma_start3A_62 = tpu.memref_slice %arg7[%dma_start3A_61] : memref<10112xf32, #tpu.memory_space<vmem_shared>> -> memref<10112xf32, #tpu.memory_space<vmem_shared>>
      tpu.enqueue_indirect_dma source(%arg6 : memref<112xf32, #tpu.memory_space<vmem>>) target(%dma_start3A_62 : memref<10112xf32, #tpu.memory_space<vmem_shared>>) offsets(%dma_start3A_60 : memref<112xi32, #tpu.memory_space<vmem>>) semaphore(%arg8 : memref<!tpu.dma_semaphore, #tpu.memory_space<semaphore_mem>>) {add = true}
      %add3A_63 = arith.constant 1 : i32
      %add3A_64 = arith.addi %mul3A_56, %add3A_63 : i32
      %dma_start3A_65 = arith.constant 0 : i32
      %dma_start3A_66 = tpu.memref_slice %arg5[%add3A_64, %dma_start3A_65] : memref<90x112xi32, #tpu.memory_space<vmem>> -> memref<1x112xi32, #tpu.memory_space<vmem>>
      %dma_start3A_67 = tpu.memref_squeeze %dma_start3A_66 : memref<1x112xi32, #tpu.memory_space<vmem>> -> memref<112xi32, #tpu.memory_space<vmem>>
      %dma_start3A_68 = arith.constant 0 : i32
      %dma_start3A_69 = tpu.memref_slice %arg7[%dma_start3A_68] : memref<10112xf32, #tpu.memory_space<vmem_shared>> -> memref<10112xf32, #tpu.memory_space<vmem_shared>>
      tpu.enqueue_indirect_dma source(%arg6 : memref<112xf32, #tpu.memory_space<vmem>>) target(%dma_start3A_69 : memref<10112xf32, #tpu.memory_space<vmem_shared>>) offsets(%dma_start3A_67 : memref<112xi32, #tpu.memory_space<vmem>>) semaphore(%arg9 : memref<!tpu.dma_semaphore, #tpu.memory_space<semaphore_mem>>) {add = true}
      %add3A_70 = arith.constant 2 : i32
      %add3A_71 = arith.addi %mul3A_56, %add3A_70 : i32
      %dma_start3A_72 = arith.constant 0 : i32
      %dma_start3A_73 = tpu.memref_slice %arg5[%add3A_71, %dma_start3A_72] : memref<90x112xi32, #tpu.memory_space<vmem>> -> memref<1x112xi32, #tpu.memory_space<vmem>>
      %dma_start3A_74 = tpu.memref_squeeze %dma_start3A_73 : memref<1x112xi32, #tpu.memory_space<vmem>> -> memref<112xi32, #tpu.memory_space<vmem>>
      %dma_start3A_75 = arith.constant 0 : i32
      %dma_start3A_76 = tpu.memref_slice %arg7[%dma_start3A_75] : memref<10112xf32, #tpu.memory_space<vmem_shared>> -> memref<10112xf32, #tpu.memory_space<vmem_shared>>
      tpu.enqueue_indirect_dma source(%arg6 : memref<112xf32, #tpu.memory_space<vmem>>) target(%dma_start3A_76 : memref<10112xf32, #tpu.memory_space<vmem_shared>>) offsets(%dma_start3A_74 : memref<112xi32, #tpu.memory_space<vmem>>) semaphore(%arg10 : memref<!tpu.dma_semaphore, #tpu.memory_space<semaphore_mem>>) {add = true}
      %dma_wait3A = arith.constant 0 : i32
      %dma_wait3A_77 = tpu.memref_slice %arg5[%add3A_58, %dma_wait3A] : memref<90x112xi32, #tpu.memory_space<vmem>> -> memref<1x112xi32, #tpu.memory_space<vmem>>
      %dma_wait3A_78 = tpu.memref_squeeze %dma_wait3A_77 : memref<1x112xi32, #tpu.memory_space<vmem>> -> memref<112xi32, #tpu.memory_space<vmem>>
      %dma_wait3A_79 = arith.constant 0 : i32
      %dma_wait3A_80 = tpu.memref_slice %arg7[%dma_wait3A_79] : memref<10112xf32, #tpu.memory_space<vmem_shared>> -> memref<10112xf32, #tpu.memory_space<vmem_shared>>
      tpu.wait_indirect_dma semaphore(%arg8 : memref<!tpu.dma_semaphore, #tpu.memory_space<semaphore_mem>>) src(%arg6 : memref<112xf32, #tpu.memory_space<vmem>>) dst(%dma_wait3A_80 : memref<10112xf32, #tpu.memory_space<vmem_shared>>)
      %dma_wait3A_81 = arith.constant 0 : i32
      %dma_wait3A_82 = tpu.memref_slice %arg5[%add3A_64, %dma_wait3A_81] : memref<90x112xi32, #tpu.memory_space<vmem>> -> memref<1x112xi32, #tpu.memory_space<vmem>>
      %dma_wait3A_83 = tpu.memref_squeeze %dma_wait3A_82 : memref<1x112xi32, #tpu.memory_space<vmem>> -> memref<112xi32, #tpu.memory_space<vmem>>
      %dma_wait3A_84 = arith.constant 0 : i32
      %dma_wait3A_85 = tpu.memref_slice %arg7[%dma_wait3A_84] : memref<10112xf32, #tpu.memory_space<vmem_shared>> -> memref<10112xf32, #tpu.memory_space<vmem_shared>>
      tpu.wait_indirect_dma semaphore(%arg9 : memref<!tpu.dma_semaphore, #tpu.memory_space<semaphore_mem>>) src(%arg6 : memref<112xf32, #tpu.memory_space<vmem>>) dst(%dma_wait3A_85 : memref<10112xf32, #tpu.memory_space<vmem_shared>>)
      %dma_wait3A_86 = arith.constant 0 : i32
      %dma_wait3A_87 = tpu.memref_slice %arg5[%add3A_71, %dma_wait3A_86] : memref<90x112xi32, #tpu.memory_space<vmem>> -> memref<1x112xi32, #tpu.memory_space<vmem>>
      %dma_wait3A_88 = tpu.memref_squeeze %dma_wait3A_87 : memref<1x112xi32, #tpu.memory_space<vmem>> -> memref<112xi32, #tpu.memory_space<vmem>>
      %dma_wait3A_89 = arith.constant 0 : i32
      %dma_wait3A_90 = tpu.memref_slice %arg7[%dma_wait3A_89] : memref<10112xf32, #tpu.memory_space<vmem_shared>> -> memref<10112xf32, #tpu.memory_space<vmem_shared>>
      tpu.wait_indirect_dma semaphore(%arg10 : memref<!tpu.dma_semaphore, #tpu.memory_space<semaphore_mem>>) src(%arg6 : memref<112xf32, #tpu.memory_space<vmem>>) dst(%dma_wait3A_90 : memref<10112xf32, #tpu.memory_space<vmem_shared>>)
    }
    %scan3A_47 = arith.constant 30 : i32
    %barrier3A_48 = arith.constant 0 : index
    tpu.barrier barrier_id(%barrier3A_48)
    %eq3A_49 = arith.constant 0 : i32
    %eq3A_50 = arith.cmpi eq, %arg1, %eq3A_49 : i32
    %convert_element_type3A_51 = arith.extui %eq3A_50 : i1 to i32
    %cond3A_52 = arith.constant 0 : i32
    %cond3A_53 = arith.cmpi ne, %convert_element_type3A_51, %cond3A_52 : i32
    scf.if %cond3A_53 {
      "tpu.region"() ({
        %run_scoped3A = tpu.sem_alloc : memref<!tpu.dma_semaphore, #tpu.memory_space<semaphore_mem>>
        %dma_start3A = arith.constant 0 : i32
        %dma_start3A_54 = tpu.memref_slice %arg4[%arg0, %dma_start3A] : memref<2x10112xf32, #tpu.memory_space<hbm>> -> memref<1x10112xf32, #tpu.memory_space<hbm>>
        %dma_start3A_55 = tpu.memref_squeeze %dma_start3A_54 : memref<1x10112xf32, #tpu.memory_space<hbm>> -> memref<10112xf32, #tpu.memory_space<hbm>>
        tpu.enqueue_dma source(%arg7 : memref<10112xf32, #tpu.memory_space<vmem_shared>>) target(%dma_start3A_55 : memref<10112xf32, #tpu.memory_space<hbm>>) target_semaphore(%run_scoped3A : memref<!tpu.dma_semaphore, #tpu.memory_space<semaphore_mem>>)
        %dma_wait3A = arith.constant 0 : i32
        %dma_wait3A_56 = tpu.memref_slice %arg4[%arg0, %dma_wait3A] : memref<2x10112xf32, #tpu.memory_space<hbm>> -> memref<1x10112xf32, #tpu.memory_space<hbm>>
        %dma_wait3A_57 = tpu.memref_squeeze %dma_wait3A_56 : memref<1x10112xf32, #tpu.memory_space<hbm>> -> memref<10112xf32, #tpu.memory_space<hbm>>
        tpu.wait_dma2 semaphore(%run_scoped3A : memref<!tpu.dma_semaphore, #tpu.memory_space<semaphore_mem>>) src(%arg7 : memref<10112xf32, #tpu.memory_space<vmem_shared>>) dst(%dma_wait3A_57 : memref<10112xf32, #tpu.memory_space<hbm>>)
        tpu.yield
      }) : () -> ()
    } else {
    }
    return
  }
}

#map = affine_map<(d0, d1) -> (0, 0)>
#map1 = affine_map<(d0, d1) -> (0, 0, 0, 0)>
#map2 = affine_map<(d0, d1) -> (0, 0, 0)>
module attributes {stable_mosaic.version = 14 : i64} {
  func.func @_agg_body(%arg0: i32, %arg1: i32, %arg2: memref<10112x128xf32, #tpu.memory_space<hbm>>, %arg3: memref<32x6x15x112xi32, #tpu.memory_space<hbm>>, %arg4: memref<32x6x15x112xi32, #tpu.memory_space<hbm>>, %arg5: memref<10112x128xf32, #tpu.memory_space<hbm>>, %arg6: memref<2x10112x128xf32, #tpu.memory_space<hbm>>, %arg7: memref<15x112xi32, #tpu.memory_space<vmem>>, %arg8: memref<15x112xi32, #tpu.memory_space<vmem>>, %arg9: memref<112x128xf32, #tpu.memory_space<vmem>>, %arg10: memref<112x128xf32, #tpu.memory_space<vmem>>, %arg11: memref<112x128xf32, #tpu.memory_space<vmem>>, %arg12: memref<10112x128xf32, #tpu.memory_space<vmem_shared>>, %arg13: memref<!tpu.dma_semaphore, #tpu.memory_space<semaphore_mem>>, %arg14: memref<!tpu.dma_semaphore, #tpu.memory_space<semaphore_mem>>, %arg15: memref<!tpu.dma_semaphore, #tpu.memory_space<semaphore_mem>>, %arg16: memref<!tpu.dma_semaphore, #tpu.memory_space<semaphore_mem>>, %arg17: memref<!tpu.dma_semaphore, #tpu.memory_space<semaphore_mem>>, %arg18: memref<!tpu.dma_semaphore, #tpu.memory_space<semaphore_mem>>) attributes {dimension_semantics = [#tpu.dimension_semantics<core_parallel>, #tpu.dimension_semantics<subcore_parallel>], iteration_bounds = array<i64: 2, 16>, scalar_prefetch = 0 : i64, scratch_operands = 12 : i64, tpu.core_type = #tpu.core_type<sc_vector_subcore>, window_params = [{transform_indices = #map}, {transform_indices = #map1}, {transform_indices = #map1}, {transform_indices = #map}, {transform_indices = #map2}]} {
    %mul3A = arith.constant 632 : i32
    %mul3A_0 = arith.muli %arg1, %mul3A : i32
    "tpu.region"() ({
      %run_scoped3A = tpu.sem_alloc : memref<!tpu.dma_semaphore, #tpu.memory_space<semaphore_mem>>
      %dma_start3A = arith.constant 0 : i32
      %dma_start3A_9 = tpu.memref_slice %arg12[%mul3A_0, %dma_start3A] : memref<10112x128xf32, #tpu.memory_space<vmem_shared>> -> memref<632x128xf32, #tpu.memory_space<vmem_shared>>
      %dma_start3A_10 = arith.constant 0 : i32
      %dma_start3A_11 = tpu.memref_slice %arg5[%mul3A_0, %dma_start3A_10] : memref<10112x128xf32, #tpu.memory_space<hbm>> -> memref<632x128xf32, #tpu.memory_space<hbm>>
      tpu.enqueue_dma source(%dma_start3A_11 : memref<632x128xf32, #tpu.memory_space<hbm>>) target(%dma_start3A_9 : memref<632x128xf32, #tpu.memory_space<vmem_shared>>) target_semaphore(%run_scoped3A : memref<!tpu.dma_semaphore, #tpu.memory_space<semaphore_mem>>)
      %dma_wait3A = arith.constant 0 : i32
      %dma_wait3A_12 = tpu.memref_slice %arg12[%mul3A_0, %dma_wait3A] : memref<10112x128xf32, #tpu.memory_space<vmem_shared>> -> memref<632x128xf32, #tpu.memory_space<vmem_shared>>
      %dma_wait3A_13 = arith.constant 0 : i32
      %dma_wait3A_14 = tpu.memref_slice %arg5[%mul3A_0, %dma_wait3A_13] : memref<10112x128xf32, #tpu.memory_space<hbm>> -> memref<632x128xf32, #tpu.memory_space<hbm>>
      tpu.wait_dma2 semaphore(%run_scoped3A : memref<!tpu.dma_semaphore, #tpu.memory_space<semaphore_mem>>) src(%dma_wait3A_14 : memref<632x128xf32, #tpu.memory_space<hbm>>) dst(%dma_wait3A_12 : memref<632x128xf32, #tpu.memory_space<vmem_shared>>)
      tpu.yield
    }) : () -> ()
    %mul3A_1 = arith.constant 16 : i32
    %mul3A_2 = arith.muli %arg0, %mul3A_1 : i32
    %add3A = arith.addi %mul3A_2, %arg1 : i32
    %barrier3A = arith.constant 0 : index
    tpu.barrier barrier_id(%barrier3A)
    %scan3A = arith.constant 0 : i32
    %scan3A_3 = arith.constant 0 : i32
    %scan3A_4 = arith.constant 6 : i32
    %scan3A_5 = arith.addi %scan3A_3, %scan3A_4 : i32
    %scan3A_6 = arith.constant 1 : i32
    scf.for %scan3A_9 = %scan3A_3 to %scan3A_5 step %scan3A_6  : i32 {
      "tpu.region"() ({
        %run_scoped3A = tpu.sem_alloc : memref<!tpu.dma_semaphore, #tpu.memory_space<semaphore_mem>>
        %dma_start3A = arith.constant 0 : i32
        %dma_start3A_16 = arith.constant 0 : i32
        %dma_start3A_17 = tpu.memref_slice %arg3[%add3A, %scan3A_9, %dma_start3A, %dma_start3A_16] : memref<32x6x15x112xi32, #tpu.memory_space<hbm>> -> memref<1x1x15x112xi32, #tpu.memory_space<hbm>>
        %dma_start3A_18 = tpu.memref_squeeze %dma_start3A_17 : memref<1x1x15x112xi32, #tpu.memory_space<hbm>> -> memref<15x112xi32, #tpu.memory_space<hbm>>
        %dma_start3A_19 = arith.constant 0 : i32
        %dma_start3A_20 = arith.constant 0 : i32
        %dma_start3A_21 = tpu.memref_slice %arg3[%add3A, %scan3A_9, %dma_start3A_19, %dma_start3A_20] : memref<32x6x15x112xi32, #tpu.memory_space<hbm>> -> memref<1x1x15x112xi32, #tpu.memory_space<hbm>>
        %dma_start3A_22 = tpu.memref_squeeze %dma_start3A_21 : memref<1x1x15x112xi32, #tpu.memory_space<hbm>> -> memref<15x112xi32, #tpu.memory_space<hbm>>
        tpu.enqueue_dma source(%dma_start3A_22 : memref<15x112xi32, #tpu.memory_space<hbm>>) target(%arg7 : memref<15x112xi32, #tpu.memory_space<vmem>>) target_semaphore(%run_scoped3A : memref<!tpu.dma_semaphore, #tpu.memory_space<semaphore_mem>>)
        %dma_wait3A = arith.constant 0 : i32
        %dma_wait3A_23 = arith.constant 0 : i32
        %dma_wait3A_24 = tpu.memref_slice %arg3[%add3A, %scan3A_9, %dma_wait3A, %dma_wait3A_23] : memref<32x6x15x112xi32, #tpu.memory_space<hbm>> -> memref<1x1x15x112xi32, #tpu.memory_space<hbm>>
        %dma_wait3A_25 = tpu.memref_squeeze %dma_wait3A_24 : memref<1x1x15x112xi32, #tpu.memory_space<hbm>> -> memref<15x112xi32, #tpu.memory_space<hbm>>
        %dma_wait3A_26 = arith.constant 0 : i32
        %dma_wait3A_27 = arith.constant 0 : i32
        %dma_wait3A_28 = tpu.memref_slice %arg3[%add3A, %scan3A_9, %dma_wait3A_26, %dma_wait3A_27] : memref<32x6x15x112xi32, #tpu.memory_space<hbm>> -> memref<1x1x15x112xi32, #tpu.memory_space<hbm>>
        %dma_wait3A_29 = tpu.memref_squeeze %dma_wait3A_28 : memref<1x1x15x112xi32, #tpu.memory_space<hbm>> -> memref<15x112xi32, #tpu.memory_space<hbm>>
        tpu.wait_dma2 semaphore(%run_scoped3A : memref<!tpu.dma_semaphore, #tpu.memory_space<semaphore_mem>>) src(%dma_wait3A_29 : memref<15x112xi32, #tpu.memory_space<hbm>>) dst(%arg7 : memref<15x112xi32, #tpu.memory_space<vmem>>)
        tpu.yield
      }) : () -> ()
      "tpu.region"() ({
        %run_scoped3A = tpu.sem_alloc : memref<!tpu.dma_semaphore, #tpu.memory_space<semaphore_mem>>
        %dma_start3A = arith.constant 0 : i32
        %dma_start3A_16 = arith.constant 0 : i32
        %dma_start3A_17 = tpu.memref_slice %arg4[%add3A, %scan3A_9, %dma_start3A, %dma_start3A_16] : memref<32x6x15x112xi32, #tpu.memory_space<hbm>> -> memref<1x1x15x112xi32, #tpu.memory_space<hbm>>
        %dma_start3A_18 = tpu.memref_squeeze %dma_start3A_17 : memref<1x1x15x112xi32, #tpu.memory_space<hbm>> -> memref<15x112xi32, #tpu.memory_space<hbm>>
        %dma_start3A_19 = arith.constant 0 : i32
        %dma_start3A_20 = arith.constant 0 : i32
        %dma_start3A_21 = tpu.memref_slice %arg4[%add3A, %scan3A_9, %dma_start3A_19, %dma_start3A_20] : memref<32x6x15x112xi32, #tpu.memory_space<hbm>> -> memref<1x1x15x112xi32, #tpu.memory_space<hbm>>
        %dma_start3A_22 = tpu.memref_squeeze %dma_start3A_21 : memref<1x1x15x112xi32, #tpu.memory_space<hbm>> -> memref<15x112xi32, #tpu.memory_space<hbm>>
        tpu.enqueue_dma source(%dma_start3A_22 : memref<15x112xi32, #tpu.memory_space<hbm>>) target(%arg8 : memref<15x112xi32, #tpu.memory_space<vmem>>) target_semaphore(%run_scoped3A : memref<!tpu.dma_semaphore, #tpu.memory_space<semaphore_mem>>)
        %dma_wait3A = arith.constant 0 : i32
        %dma_wait3A_23 = arith.constant 0 : i32
        %dma_wait3A_24 = tpu.memref_slice %arg4[%add3A, %scan3A_9, %dma_wait3A, %dma_wait3A_23] : memref<32x6x15x112xi32, #tpu.memory_space<hbm>> -> memref<1x1x15x112xi32, #tpu.memory_space<hbm>>
        %dma_wait3A_25 = tpu.memref_squeeze %dma_wait3A_24 : memref<1x1x15x112xi32, #tpu.memory_space<hbm>> -> memref<15x112xi32, #tpu.memory_space<hbm>>
        %dma_wait3A_26 = arith.constant 0 : i32
        %dma_wait3A_27 = arith.constant 0 : i32
        %dma_wait3A_28 = tpu.memref_slice %arg4[%add3A, %scan3A_9, %dma_wait3A_26, %dma_wait3A_27] : memref<32x6x15x112xi32, #tpu.memory_space<hbm>> -> memref<1x1x15x112xi32, #tpu.memory_space<hbm>>
        %dma_wait3A_29 = tpu.memref_squeeze %dma_wait3A_28 : memref<1x1x15x112xi32, #tpu.memory_space<hbm>> -> memref<15x112xi32, #tpu.memory_space<hbm>>
        tpu.wait_dma2 semaphore(%run_scoped3A : memref<!tpu.dma_semaphore, #tpu.memory_space<semaphore_mem>>) src(%dma_wait3A_29 : memref<15x112xi32, #tpu.memory_space<hbm>>) dst(%arg8 : memref<15x112xi32, #tpu.memory_space<vmem>>)
        tpu.yield
      }) : () -> ()
      %scan3A_10 = arith.constant 0 : i32
      %scan3A_11 = arith.constant 0 : i32
      %scan3A_12 = arith.constant 5 : i32
      %scan3A_13 = arith.addi %scan3A_11, %scan3A_12 : i32
      %scan3A_14 = arith.constant 1 : i32
      scf.for %scan3A_16 = %scan3A_11 to %scan3A_13 step %scan3A_14  : i32 {
        %mul3A_17 = arith.constant 3 : i32
        %mul3A_18 = arith.muli %scan3A_16, %mul3A_17 : i32
        %add3A_19 = arith.constant 0 : i32
        %add3A_20 = arith.addi %mul3A_18, %add3A_19 : i32
        %dma_start3A = arith.constant 0 : i32
        %dma_start3A_21 = tpu.memref_slice %arg7[%add3A_20, %dma_start3A] : memref<15x112xi32, #tpu.memory_space<vmem>> -> memref<1x112xi32, #tpu.memory_space<vmem>>
        %dma_start3A_22 = tpu.memref_squeeze %dma_start3A_21 : memref<1x112xi32, #tpu.memory_space<vmem>> -> memref<112xi32, #tpu.memory_space<vmem>>
        %dma_start3A_23 = arith.constant 0 : i32
        %dma_start3A_24 = arith.constant 0 : i32
        %dma_start3A_25 = tpu.memref_slice %arg2[%dma_start3A_23, %dma_start3A_24] : memref<10112x128xf32, #tpu.memory_space<hbm>> -> memref<10112x128xf32, #tpu.memory_space<hbm>>
        tpu.enqueue_indirect_dma source(%dma_start3A_25 : memref<10112x128xf32, #tpu.memory_space<hbm>>) target(%arg9 : memref<112x128xf32, #tpu.memory_space<vmem>>) offsets(%dma_start3A_22 : memref<112xi32, #tpu.memory_space<vmem>>) semaphore(%arg13 : memref<!tpu.dma_semaphore, #tpu.memory_space<semaphore_mem>>)
        %add3A_26 = arith.constant 1 : i32
        %add3A_27 = arith.addi %mul3A_18, %add3A_26 : i32
        %dma_start3A_28 = arith.constant 0 : i32
        %dma_start3A_29 = tpu.memref_slice %arg7[%add3A_27, %dma_start3A_28] : memref<15x112xi32, #tpu.memory_space<vmem>> -> memref<1x112xi32, #tpu.memory_space<vmem>>
        %dma_start3A_30 = tpu.memref_squeeze %dma_start3A_29 : memref<1x112xi32, #tpu.memory_space<vmem>> -> memref<112xi32, #tpu.memory_space<vmem>>
        %dma_start3A_31 = arith.constant 0 : i32
        %dma_start3A_32 = arith.constant 0 : i32
        %dma_start3A_33 = tpu.memref_slice %arg2[%dma_start3A_31, %dma_start3A_32] : memref<10112x128xf32, #tpu.memory_space<hbm>> -> memref<10112x128xf32, #tpu.memory_space<hbm>>
        tpu.enqueue_indirect_dma source(%dma_start3A_33 : memref<10112x128xf32, #tpu.memory_space<hbm>>) target(%arg10 : memref<112x128xf32, #tpu.memory_space<vmem>>) offsets(%dma_start3A_30 : memref<112xi32, #tpu.memory_space<vmem>>) semaphore(%arg14 : memref<!tpu.dma_semaphore, #tpu.memory_space<semaphore_mem>>)
        %add3A_34 = arith.constant 2 : i32
        %add3A_35 = arith.addi %mul3A_18, %add3A_34 : i32
        %dma_start3A_36 = arith.constant 0 : i32
        %dma_start3A_37 = tpu.memref_slice %arg7[%add3A_35, %dma_start3A_36] : memref<15x112xi32, #tpu.memory_space<vmem>> -> memref<1x112xi32, #tpu.memory_space<vmem>>
        %dma_start3A_38 = tpu.memref_squeeze %dma_start3A_37 : memref<1x112xi32, #tpu.memory_space<vmem>> -> memref<112xi32, #tpu.memory_space<vmem>>
        %dma_start3A_39 = arith.constant 0 : i32
        %dma_start3A_40 = arith.constant 0 : i32
        %dma_start3A_41 = tpu.memref_slice %arg2[%dma_start3A_39, %dma_start3A_40] : memref<10112x128xf32, #tpu.memory_space<hbm>> -> memref<10112x128xf32, #tpu.memory_space<hbm>>
        tpu.enqueue_indirect_dma source(%dma_start3A_41 : memref<10112x128xf32, #tpu.memory_space<hbm>>) target(%arg11 : memref<112x128xf32, #tpu.memory_space<vmem>>) offsets(%dma_start3A_38 : memref<112xi32, #tpu.memory_space<vmem>>) semaphore(%arg15 : memref<!tpu.dma_semaphore, #tpu.memory_space<semaphore_mem>>)
        %dma_wait3A = arith.constant 0 : i32
        %dma_wait3A_42 = tpu.memref_slice %arg7[%add3A_20, %dma_wait3A] : memref<15x112xi32, #tpu.memory_space<vmem>> -> memref<1x112xi32, #tpu.memory_space<vmem>>
        %dma_wait3A_43 = tpu.memref_squeeze %dma_wait3A_42 : memref<1x112xi32, #tpu.memory_space<vmem>> -> memref<112xi32, #tpu.memory_space<vmem>>
        %dma_wait3A_44 = arith.constant 0 : i32
        %dma_wait3A_45 = arith.constant 0 : i32
        %dma_wait3A_46 = tpu.memref_slice %arg2[%dma_wait3A_44, %dma_wait3A_45] : memref<10112x128xf32, #tpu.memory_space<hbm>> -> memref<10112x128xf32, #tpu.memory_space<hbm>>
        tpu.wait_indirect_dma semaphore(%arg13 : memref<!tpu.dma_semaphore, #tpu.memory_space<semaphore_mem>>) src(%dma_wait3A_46 : memref<10112x128xf32, #tpu.memory_space<hbm>>) dst(%arg9 : memref<112x128xf32, #tpu.memory_space<vmem>>)
        %add3A_47 = arith.constant 0 : i32
        %add3A_48 = arith.addi %mul3A_18, %add3A_47 : i32
        %dma_start3A_49 = arith.constant 0 : i32
        %dma_start3A_50 = tpu.memref_slice %arg8[%add3A_48, %dma_start3A_49] : memref<15x112xi32, #tpu.memory_space<vmem>> -> memref<1x112xi32, #tpu.memory_space<vmem>>
        %dma_start3A_51 = tpu.memref_squeeze %dma_start3A_50 : memref<1x112xi32, #tpu.memory_space<vmem>> -> memref<112xi32, #tpu.memory_space<vmem>>
        %dma_start3A_52 = arith.constant 0 : i32
        %dma_start3A_53 = arith.constant 0 : i32
        %dma_start3A_54 = tpu.memref_slice %arg12[%dma_start3A_52, %dma_start3A_53] : memref<10112x128xf32, #tpu.memory_space<vmem_shared>> -> memref<10112x128xf32, #tpu.memory_space<vmem_shared>>
        tpu.enqueue_indirect_dma source(%arg9 : memref<112x128xf32, #tpu.memory_space<vmem>>) target(%dma_start3A_54 : memref<10112x128xf32, #tpu.memory_space<vmem_shared>>) offsets(%dma_start3A_51 : memref<112xi32, #tpu.memory_space<vmem>>) semaphore(%arg16 : memref<!tpu.dma_semaphore, #tpu.memory_space<semaphore_mem>>) {add = true}
        %dma_wait3A_55 = arith.constant 0 : i32
        %dma_wait3A_56 = tpu.memref_slice %arg7[%add3A_27, %dma_wait3A_55] : memref<15x112xi32, #tpu.memory_space<vmem>> -> memref<1x112xi32, #tpu.memory_space<vmem>>
        %dma_wait3A_57 = tpu.memref_squeeze %dma_wait3A_56 : memref<1x112xi32, #tpu.memory_space<vmem>> -> memref<112xi32, #tpu.memory_space<vmem>>
        %dma_wait3A_58 = arith.constant 0 : i32
        %dma_wait3A_59 = arith.constant 0 : i32
        %dma_wait3A_60 = tpu.memref_slice %arg2[%dma_wait3A_58, %dma_wait3A_59] : memref<10112x128xf32, #tpu.memory_space<hbm>> -> memref<10112x128xf32, #tpu.memory_space<hbm>>
        tpu.wait_indirect_dma semaphore(%arg14 : memref<!tpu.dma_semaphore, #tpu.memory_space<semaphore_mem>>) src(%dma_wait3A_60 : memref<10112x128xf32, #tpu.memory_space<hbm>>) dst(%arg10 : memref<112x128xf32, #tpu.memory_space<vmem>>)
        %add3A_61 = arith.constant 1 : i32
        %add3A_62 = arith.addi %mul3A_18, %add3A_61 : i32
        %dma_start3A_63 = arith.constant 0 : i32
        %dma_start3A_64 = tpu.memref_slice %arg8[%add3A_62, %dma_start3A_63] : memref<15x112xi32, #tpu.memory_space<vmem>> -> memref<1x112xi32, #tpu.memory_space<vmem>>
        %dma_start3A_65 = tpu.memref_squeeze %dma_start3A_64 : memref<1x112xi32, #tpu.memory_space<vmem>> -> memref<112xi32, #tpu.memory_space<vmem>>
        %dma_start3A_66 = arith.constant 0 : i32
        %dma_start3A_67 = arith.constant 0 : i32
        %dma_start3A_68 = tpu.memref_slice %arg12[%dma_start3A_66, %dma_start3A_67] : memref<10112x128xf32, #tpu.memory_space<vmem_shared>> -> memref<10112x128xf32, #tpu.memory_space<vmem_shared>>
        tpu.enqueue_indirect_dma source(%arg10 : memref<112x128xf32, #tpu.memory_space<vmem>>) target(%dma_start3A_68 : memref<10112x128xf32, #tpu.memory_space<vmem_shared>>) offsets(%dma_start3A_65 : memref<112xi32, #tpu.memory_space<vmem>>) semaphore(%arg17 : memref<!tpu.dma_semaphore, #tpu.memory_space<semaphore_mem>>) {add = true}
        %dma_wait3A_69 = arith.constant 0 : i32
        %dma_wait3A_70 = tpu.memref_slice %arg7[%add3A_35, %dma_wait3A_69] : memref<15x112xi32, #tpu.memory_space<vmem>> -> memref<1x112xi32, #tpu.memory_space<vmem>>
        %dma_wait3A_71 = tpu.memref_squeeze %dma_wait3A_70 : memref<1x112xi32, #tpu.memory_space<vmem>> -> memref<112xi32, #tpu.memory_space<vmem>>
        %dma_wait3A_72 = arith.constant 0 : i32
        %dma_wait3A_73 = arith.constant 0 : i32
        %dma_wait3A_74 = tpu.memref_slice %arg2[%dma_wait3A_72, %dma_wait3A_73] : memref<10112x128xf32, #tpu.memory_space<hbm>> -> memref<10112x128xf32, #tpu.memory_space<hbm>>
        tpu.wait_indirect_dma semaphore(%arg15 : memref<!tpu.dma_semaphore, #tpu.memory_space<semaphore_mem>>) src(%dma_wait3A_74 : memref<10112x128xf32, #tpu.memory_space<hbm>>) dst(%arg11 : memref<112x128xf32, #tpu.memory_space<vmem>>)
        %add3A_75 = arith.constant 2 : i32
        %add3A_76 = arith.addi %mul3A_18, %add3A_75 : i32
        %dma_start3A_77 = arith.constant 0 : i32
        %dma_start3A_78 = tpu.memref_slice %arg8[%add3A_76, %dma_start3A_77] : memref<15x112xi32, #tpu.memory_space<vmem>> -> memref<1x112xi32, #tpu.memory_space<vmem>>
        %dma_start3A_79 = tpu.memref_squeeze %dma_start3A_78 : memref<1x112xi32, #tpu.memory_space<vmem>> -> memref<112xi32, #tpu.memory_space<vmem>>
        %dma_start3A_80 = arith.constant 0 : i32
        %dma_start3A_81 = arith.constant 0 : i32
        %dma_start3A_82 = tpu.memref_slice %arg12[%dma_start3A_80, %dma_start3A_81] : memref<10112x128xf32, #tpu.memory_space<vmem_shared>> -> memref<10112x128xf32, #tpu.memory_space<vmem_shared>>
        tpu.enqueue_indirect_dma source(%arg11 : memref<112x128xf32, #tpu.memory_space<vmem>>) target(%dma_start3A_82 : memref<10112x128xf32, #tpu.memory_space<vmem_shared>>) offsets(%dma_start3A_79 : memref<112xi32, #tpu.memory_space<vmem>>) semaphore(%arg18 : memref<!tpu.dma_semaphore, #tpu.memory_space<semaphore_mem>>) {add = true}
        %dma_wait3A_83 = arith.constant 0 : i32
        %dma_wait3A_84 = tpu.memref_slice %arg8[%add3A_48, %dma_wait3A_83] : memref<15x112xi32, #tpu.memory_space<vmem>> -> memref<1x112xi32, #tpu.memory_space<vmem>>
        %dma_wait3A_85 = tpu.memref_squeeze %dma_wait3A_84 : memref<1x112xi32, #tpu.memory_space<vmem>> -> memref<112xi32, #tpu.memory_space<vmem>>
        %dma_wait3A_86 = arith.constant 0 : i32
        %dma_wait3A_87 = arith.constant 0 : i32
        %dma_wait3A_88 = tpu.memref_slice %arg12[%dma_wait3A_86, %dma_wait3A_87] : memref<10112x128xf32, #tpu.memory_space<vmem_shared>> -> memref<10112x128xf32, #tpu.memory_space<vmem_shared>>
        tpu.wait_indirect_dma semaphore(%arg16 : memref<!tpu.dma_semaphore, #tpu.memory_space<semaphore_mem>>) src(%arg9 : memref<112x128xf32, #tpu.memory_space<vmem>>) dst(%dma_wait3A_88 : memref<10112x128xf32, #tpu.memory_space<vmem_shared>>)
        %dma_wait3A_89 = arith.constant 0 : i32
        %dma_wait3A_90 = tpu.memref_slice %arg8[%add3A_62, %dma_wait3A_89] : memref<15x112xi32, #tpu.memory_space<vmem>> -> memref<1x112xi32, #tpu.memory_space<vmem>>
        %dma_wait3A_91 = tpu.memref_squeeze %dma_wait3A_90 : memref<1x112xi32, #tpu.memory_space<vmem>> -> memref<112xi32, #tpu.memory_space<vmem>>
        %dma_wait3A_92 = arith.constant 0 : i32
        %dma_wait3A_93 = arith.constant 0 : i32
        %dma_wait3A_94 = tpu.memref_slice %arg12[%dma_wait3A_92, %dma_wait3A_93] : memref<10112x128xf32, #tpu.memory_space<vmem_shared>> -> memref<10112x128xf32, #tpu.memory_space<vmem_shared>>
        tpu.wait_indirect_dma semaphore(%arg17 : memref<!tpu.dma_semaphore, #tpu.memory_space<semaphore_mem>>) src(%arg10 : memref<112x128xf32, #tpu.memory_space<vmem>>) dst(%dma_wait3A_94 : memref<10112x128xf32, #tpu.memory_space<vmem_shared>>)
        %dma_wait3A_95 = arith.constant 0 : i32
        %dma_wait3A_96 = tpu.memref_slice %arg8[%add3A_76, %dma_wait3A_95] : memref<15x112xi32, #tpu.memory_space<vmem>> -> memref<1x112xi32, #tpu.memory_space<vmem>>
        %dma_wait3A_97 = tpu.memref_squeeze %dma_wait3A_96 : memref<1x112xi32, #tpu.memory_space<vmem>> -> memref<112xi32, #tpu.memory_space<vmem>>
        %dma_wait3A_98 = arith.constant 0 : i32
        %dma_wait3A_99 = arith.constant 0 : i32
        %dma_wait3A_100 = tpu.memref_slice %arg12[%dma_wait3A_98, %dma_wait3A_99] : memref<10112x128xf32, #tpu.memory_space<vmem_shared>> -> memref<10112x128xf32, #tpu.memory_space<vmem_shared>>
        tpu.wait_indirect_dma semaphore(%arg18 : memref<!tpu.dma_semaphore, #tpu.memory_space<semaphore_mem>>) src(%arg11 : memref<112x128xf32, #tpu.memory_space<vmem>>) dst(%dma_wait3A_100 : memref<10112x128xf32, #tpu.memory_space<vmem_shared>>)
      }
      %scan3A_15 = arith.constant 5 : i32
    }
    %scan3A_7 = arith.constant 6 : i32
    %barrier3A_8 = arith.constant 0 : index
    tpu.barrier barrier_id(%barrier3A_8)
    "tpu.region"() ({
      %run_scoped3A = tpu.sem_alloc : memref<!tpu.dma_semaphore, #tpu.memory_space<semaphore_mem>>
      %dma_start3A = arith.constant 0 : i32
      %dma_start3A_9 = tpu.memref_slice %arg6[%arg0, %mul3A_0, %dma_start3A] : memref<2x10112x128xf32, #tpu.memory_space<hbm>> -> memref<1x632x128xf32, #tpu.memory_space<hbm>>
      %dma_start3A_10 = tpu.memref_squeeze %dma_start3A_9 : memref<1x632x128xf32, #tpu.memory_space<hbm>> -> memref<632x128xf32, #tpu.memory_space<hbm>>
      %dma_start3A_11 = arith.constant 0 : i32
      %dma_start3A_12 = tpu.memref_slice %arg12[%mul3A_0, %dma_start3A_11] : memref<10112x128xf32, #tpu.memory_space<vmem_shared>> -> memref<632x128xf32, #tpu.memory_space<vmem_shared>>
      tpu.enqueue_dma source(%dma_start3A_12 : memref<632x128xf32, #tpu.memory_space<vmem_shared>>) target(%dma_start3A_10 : memref<632x128xf32, #tpu.memory_space<hbm>>) target_semaphore(%run_scoped3A : memref<!tpu.dma_semaphore, #tpu.memory_space<semaphore_mem>>)
      %dma_wait3A = arith.constant 0 : i32
      %dma_wait3A_13 = tpu.memref_slice %arg6[%arg0, %mul3A_0, %dma_wait3A] : memref<2x10112x128xf32, #tpu.memory_space<hbm>> -> memref<1x632x128xf32, #tpu.memory_space<hbm>>
      %dma_wait3A_14 = tpu.memref_squeeze %dma_wait3A_13 : memref<1x632x128xf32, #tpu.memory_space<hbm>> -> memref<632x128xf32, #tpu.memory_space<hbm>>
      %dma_wait3A_15 = arith.constant 0 : i32
      %dma_wait3A_16 = tpu.memref_slice %arg12[%mul3A_0, %dma_wait3A_15] : memref<10112x128xf32, #tpu.memory_space<vmem_shared>> -> memref<632x128xf32, #tpu.memory_space<vmem_shared>>
      tpu.wait_dma2 semaphore(%run_scoped3A : memref<!tpu.dma_semaphore, #tpu.memory_space<semaphore_mem>>) src(%dma_wait3A_16 : memref<632x128xf32, #tpu.memory_space<vmem_shared>>) dst(%dma_wait3A_14 : memref<632x128xf32, #tpu.memory_space<hbm>>)
      tpu.yield
    }) : () -> ()
    return
  }
}

#map = affine_map<(d0, d1) -> (0, 0)>
#map1 = affine_map<(d0, d1) -> (0, 0, 0, 0)>
#map2 = affine_map<(d0, d1) -> (0, 0, 0)>
module attributes {stable_mosaic.version = 14 : i64} {
  func.func @_agg_body(%arg0: i32, %arg1: i32, %arg2: memref<10112x128xf32, #tpu.memory_space<hbm>>, %arg3: memref<32x6x15x112xi32, #tpu.memory_space<hbm>>, %arg4: memref<32x6x15x112xi32, #tpu.memory_space<hbm>>, %arg5: memref<10112x128xf32, #tpu.memory_space<hbm>>, %arg6: memref<2x10112x128xf32, #tpu.memory_space<hbm>>, %arg7: memref<15x112xi32, #tpu.memory_space<vmem>>, %arg8: memref<15x112xi32, #tpu.memory_space<vmem>>, %arg9: memref<112x128xf32, #tpu.memory_space<vmem>>, %arg10: memref<112x128xf32, #tpu.memory_space<vmem>>, %arg11: memref<112x128xf32, #tpu.memory_space<vmem>>, %arg12: memref<10112x128xf32, #tpu.memory_space<vmem_shared>>, %arg13: memref<!tpu.dma_semaphore, #tpu.memory_space<semaphore_mem>>, %arg14: memref<!tpu.dma_semaphore, #tpu.memory_space<semaphore_mem>>, %arg15: memref<!tpu.dma_semaphore, #tpu.memory_space<semaphore_mem>>, %arg16: memref<!tpu.dma_semaphore, #tpu.memory_space<semaphore_mem>>, %arg17: memref<!tpu.dma_semaphore, #tpu.memory_space<semaphore_mem>>, %arg18: memref<!tpu.dma_semaphore, #tpu.memory_space<semaphore_mem>>) attributes {dimension_semantics = [#tpu.dimension_semantics<core_parallel>, #tpu.dimension_semantics<subcore_parallel>], iteration_bounds = array<i64: 2, 16>, scalar_prefetch = 0 : i64, scratch_operands = 12 : i64, tpu.core_type = #tpu.core_type<sc_vector_subcore>, window_params = [{transform_indices = #map}, {transform_indices = #map1}, {transform_indices = #map1}, {transform_indices = #map}, {transform_indices = #map2}]} {
    %mul3A = arith.constant 632 : i32
    %mul3A_0 = arith.muli %arg1, %mul3A : i32
    "tpu.region"() ({
      %run_scoped3A = tpu.sem_alloc : memref<!tpu.dma_semaphore, #tpu.memory_space<semaphore_mem>>
      %dma_start3A = arith.constant 0 : i32
      %dma_start3A_9 = tpu.memref_slice %arg12[%mul3A_0, %dma_start3A] : memref<10112x128xf32, #tpu.memory_space<vmem_shared>> -> memref<632x128xf32, #tpu.memory_space<vmem_shared>>
      %dma_start3A_10 = arith.constant 0 : i32
      %dma_start3A_11 = tpu.memref_slice %arg5[%mul3A_0, %dma_start3A_10] : memref<10112x128xf32, #tpu.memory_space<hbm>> -> memref<632x128xf32, #tpu.memory_space<hbm>>
      tpu.enqueue_dma source(%dma_start3A_11 : memref<632x128xf32, #tpu.memory_space<hbm>>) target(%dma_start3A_9 : memref<632x128xf32, #tpu.memory_space<vmem_shared>>) target_semaphore(%run_scoped3A : memref<!tpu.dma_semaphore, #tpu.memory_space<semaphore_mem>>)
      %dma_wait3A = arith.constant 0 : i32
      %dma_wait3A_12 = tpu.memref_slice %arg12[%mul3A_0, %dma_wait3A] : memref<10112x128xf32, #tpu.memory_space<vmem_shared>> -> memref<632x128xf32, #tpu.memory_space<vmem_shared>>
      %dma_wait3A_13 = arith.constant 0 : i32
      %dma_wait3A_14 = tpu.memref_slice %arg5[%mul3A_0, %dma_wait3A_13] : memref<10112x128xf32, #tpu.memory_space<hbm>> -> memref<632x128xf32, #tpu.memory_space<hbm>>
      tpu.wait_dma2 semaphore(%run_scoped3A : memref<!tpu.dma_semaphore, #tpu.memory_space<semaphore_mem>>) src(%dma_wait3A_14 : memref<632x128xf32, #tpu.memory_space<hbm>>) dst(%dma_wait3A_12 : memref<632x128xf32, #tpu.memory_space<vmem_shared>>)
      tpu.yield
    }) : () -> ()
    %mul3A_1 = arith.constant 16 : i32
    %mul3A_2 = arith.muli %arg0, %mul3A_1 : i32
    %add3A = arith.addi %mul3A_2, %arg1 : i32
    %barrier3A = arith.constant 0 : index
    tpu.barrier barrier_id(%barrier3A)
    %scan3A = arith.constant 0 : i32
    %scan3A_3 = arith.constant 0 : i32
    %scan3A_4 = arith.constant 6 : i32
    %scan3A_5 = arith.addi %scan3A_3, %scan3A_4 : i32
    %scan3A_6 = arith.constant 1 : i32
    scf.for %scan3A_9 = %scan3A_3 to %scan3A_5 step %scan3A_6  : i32 {
      "tpu.region"() ({
        %run_scoped3A = tpu.sem_alloc : memref<!tpu.dma_semaphore, #tpu.memory_space<semaphore_mem>>
        %dma_start3A = arith.constant 0 : i32
        %dma_start3A_16 = arith.constant 0 : i32
        %dma_start3A_17 = tpu.memref_slice %arg3[%add3A, %scan3A_9, %dma_start3A, %dma_start3A_16] : memref<32x6x15x112xi32, #tpu.memory_space<hbm>> -> memref<1x1x15x112xi32, #tpu.memory_space<hbm>>
        %dma_start3A_18 = tpu.memref_squeeze %dma_start3A_17 : memref<1x1x15x112xi32, #tpu.memory_space<hbm>> -> memref<15x112xi32, #tpu.memory_space<hbm>>
        %dma_start3A_19 = arith.constant 0 : i32
        %dma_start3A_20 = arith.constant 0 : i32
        %dma_start3A_21 = tpu.memref_slice %arg3[%add3A, %scan3A_9, %dma_start3A_19, %dma_start3A_20] : memref<32x6x15x112xi32, #tpu.memory_space<hbm>> -> memref<1x1x15x112xi32, #tpu.memory_space<hbm>>
        %dma_start3A_22 = tpu.memref_squeeze %dma_start3A_21 : memref<1x1x15x112xi32, #tpu.memory_space<hbm>> -> memref<15x112xi32, #tpu.memory_space<hbm>>
        tpu.enqueue_dma source(%dma_start3A_22 : memref<15x112xi32, #tpu.memory_space<hbm>>) target(%arg7 : memref<15x112xi32, #tpu.memory_space<vmem>>) target_semaphore(%run_scoped3A : memref<!tpu.dma_semaphore, #tpu.memory_space<semaphore_mem>>)
        %dma_wait3A = arith.constant 0 : i32
        %dma_wait3A_23 = arith.constant 0 : i32
        %dma_wait3A_24 = tpu.memref_slice %arg3[%add3A, %scan3A_9, %dma_wait3A, %dma_wait3A_23] : memref<32x6x15x112xi32, #tpu.memory_space<hbm>> -> memref<1x1x15x112xi32, #tpu.memory_space<hbm>>
        %dma_wait3A_25 = tpu.memref_squeeze %dma_wait3A_24 : memref<1x1x15x112xi32, #tpu.memory_space<hbm>> -> memref<15x112xi32, #tpu.memory_space<hbm>>
        %dma_wait3A_26 = arith.constant 0 : i32
        %dma_wait3A_27 = arith.constant 0 : i32
        %dma_wait3A_28 = tpu.memref_slice %arg3[%add3A, %scan3A_9, %dma_wait3A_26, %dma_wait3A_27] : memref<32x6x15x112xi32, #tpu.memory_space<hbm>> -> memref<1x1x15x112xi32, #tpu.memory_space<hbm>>
        %dma_wait3A_29 = tpu.memref_squeeze %dma_wait3A_28 : memref<1x1x15x112xi32, #tpu.memory_space<hbm>> -> memref<15x112xi32, #tpu.memory_space<hbm>>
        tpu.wait_dma2 semaphore(%run_scoped3A : memref<!tpu.dma_semaphore, #tpu.memory_space<semaphore_mem>>) src(%dma_wait3A_29 : memref<15x112xi32, #tpu.memory_space<hbm>>) dst(%arg7 : memref<15x112xi32, #tpu.memory_space<vmem>>)
        tpu.yield
      }) : () -> ()
      "tpu.region"() ({
        %run_scoped3A = tpu.sem_alloc : memref<!tpu.dma_semaphore, #tpu.memory_space<semaphore_mem>>
        %dma_start3A = arith.constant 0 : i32
        %dma_start3A_16 = arith.constant 0 : i32
        %dma_start3A_17 = tpu.memref_slice %arg4[%add3A, %scan3A_9, %dma_start3A, %dma_start3A_16] : memref<32x6x15x112xi32, #tpu.memory_space<hbm>> -> memref<1x1x15x112xi32, #tpu.memory_space<hbm>>
        %dma_start3A_18 = tpu.memref_squeeze %dma_start3A_17 : memref<1x1x15x112xi32, #tpu.memory_space<hbm>> -> memref<15x112xi32, #tpu.memory_space<hbm>>
        %dma_start3A_19 = arith.constant 0 : i32
        %dma_start3A_20 = arith.constant 0 : i32
        %dma_start3A_21 = tpu.memref_slice %arg4[%add3A, %scan3A_9, %dma_start3A_19, %dma_start3A_20] : memref<32x6x15x112xi32, #tpu.memory_space<hbm>> -> memref<1x1x15x112xi32, #tpu.memory_space<hbm>>
        %dma_start3A_22 = tpu.memref_squeeze %dma_start3A_21 : memref<1x1x15x112xi32, #tpu.memory_space<hbm>> -> memref<15x112xi32, #tpu.memory_space<hbm>>
        tpu.enqueue_dma source(%dma_start3A_22 : memref<15x112xi32, #tpu.memory_space<hbm>>) target(%arg8 : memref<15x112xi32, #tpu.memory_space<vmem>>) target_semaphore(%run_scoped3A : memref<!tpu.dma_semaphore, #tpu.memory_space<semaphore_mem>>)
        %dma_wait3A = arith.constant 0 : i32
        %dma_wait3A_23 = arith.constant 0 : i32
        %dma_wait3A_24 = tpu.memref_slice %arg4[%add3A, %scan3A_9, %dma_wait3A, %dma_wait3A_23] : memref<32x6x15x112xi32, #tpu.memory_space<hbm>> -> memref<1x1x15x112xi32, #tpu.memory_space<hbm>>
        %dma_wait3A_25 = tpu.memref_squeeze %dma_wait3A_24 : memref<1x1x15x112xi32, #tpu.memory_space<hbm>> -> memref<15x112xi32, #tpu.memory_space<hbm>>
        %dma_wait3A_26 = arith.constant 0 : i32
        %dma_wait3A_27 = arith.constant 0 : i32
        %dma_wait3A_28 = tpu.memref_slice %arg4[%add3A, %scan3A_9, %dma_wait3A_26, %dma_wait3A_27] : memref<32x6x15x112xi32, #tpu.memory_space<hbm>> -> memref<1x1x15x112xi32, #tpu.memory_space<hbm>>
        %dma_wait3A_29 = tpu.memref_squeeze %dma_wait3A_28 : memref<1x1x15x112xi32, #tpu.memory_space<hbm>> -> memref<15x112xi32, #tpu.memory_space<hbm>>
        tpu.wait_dma2 semaphore(%run_scoped3A : memref<!tpu.dma_semaphore, #tpu.memory_space<semaphore_mem>>) src(%dma_wait3A_29 : memref<15x112xi32, #tpu.memory_space<hbm>>) dst(%arg8 : memref<15x112xi32, #tpu.memory_space<vmem>>)
        tpu.yield
      }) : () -> ()
      %scan3A_10 = arith.constant 0 : i32
      %scan3A_11 = arith.constant 0 : i32
      %scan3A_12 = arith.constant 5 : i32
      %scan3A_13 = arith.addi %scan3A_11, %scan3A_12 : i32
      %scan3A_14 = arith.constant 1 : i32
      scf.for %scan3A_16 = %scan3A_11 to %scan3A_13 step %scan3A_14  : i32 {
        %mul3A_17 = arith.constant 3 : i32
        %mul3A_18 = arith.muli %scan3A_16, %mul3A_17 : i32
        %add3A_19 = arith.constant 0 : i32
        %add3A_20 = arith.addi %mul3A_18, %add3A_19 : i32
        %dma_start3A = arith.constant 0 : i32
        %dma_start3A_21 = tpu.memref_slice %arg7[%add3A_20, %dma_start3A] : memref<15x112xi32, #tpu.memory_space<vmem>> -> memref<1x112xi32, #tpu.memory_space<vmem>>
        %dma_start3A_22 = tpu.memref_squeeze %dma_start3A_21 : memref<1x112xi32, #tpu.memory_space<vmem>> -> memref<112xi32, #tpu.memory_space<vmem>>
        %dma_start3A_23 = arith.constant 0 : i32
        %dma_start3A_24 = arith.constant 0 : i32
        %dma_start3A_25 = tpu.memref_slice %arg2[%dma_start3A_23, %dma_start3A_24] : memref<10112x128xf32, #tpu.memory_space<hbm>> -> memref<10112x128xf32, #tpu.memory_space<hbm>>
        tpu.enqueue_indirect_dma source(%dma_start3A_25 : memref<10112x128xf32, #tpu.memory_space<hbm>>) target(%arg9 : memref<112x128xf32, #tpu.memory_space<vmem>>) offsets(%dma_start3A_22 : memref<112xi32, #tpu.memory_space<vmem>>) semaphore(%arg13 : memref<!tpu.dma_semaphore, #tpu.memory_space<semaphore_mem>>)
        %add3A_26 = arith.constant 1 : i32
        %add3A_27 = arith.addi %mul3A_18, %add3A_26 : i32
        %dma_start3A_28 = arith.constant 0 : i32
        %dma_start3A_29 = tpu.memref_slice %arg7[%add3A_27, %dma_start3A_28] : memref<15x112xi32, #tpu.memory_space<vmem>> -> memref<1x112xi32, #tpu.memory_space<vmem>>
        %dma_start3A_30 = tpu.memref_squeeze %dma_start3A_29 : memref<1x112xi32, #tpu.memory_space<vmem>> -> memref<112xi32, #tpu.memory_space<vmem>>
        %dma_start3A_31 = arith.constant 0 : i32
        %dma_start3A_32 = arith.constant 0 : i32
        %dma_start3A_33 = tpu.memref_slice %arg2[%dma_start3A_31, %dma_start3A_32] : memref<10112x128xf32, #tpu.memory_space<hbm>> -> memref<10112x128xf32, #tpu.memory_space<hbm>>
        tpu.enqueue_indirect_dma source(%dma_start3A_33 : memref<10112x128xf32, #tpu.memory_space<hbm>>) target(%arg10 : memref<112x128xf32, #tpu.memory_space<vmem>>) offsets(%dma_start3A_30 : memref<112xi32, #tpu.memory_space<vmem>>) semaphore(%arg14 : memref<!tpu.dma_semaphore, #tpu.memory_space<semaphore_mem>>)
        %add3A_34 = arith.constant 2 : i32
        %add3A_35 = arith.addi %mul3A_18, %add3A_34 : i32
        %dma_start3A_36 = arith.constant 0 : i32
        %dma_start3A_37 = tpu.memref_slice %arg7[%add3A_35, %dma_start3A_36] : memref<15x112xi32, #tpu.memory_space<vmem>> -> memref<1x112xi32, #tpu.memory_space<vmem>>
        %dma_start3A_38 = tpu.memref_squeeze %dma_start3A_37 : memref<1x112xi32, #tpu.memory_space<vmem>> -> memref<112xi32, #tpu.memory_space<vmem>>
        %dma_start3A_39 = arith.constant 0 : i32
        %dma_start3A_40 = arith.constant 0 : i32
        %dma_start3A_41 = tpu.memref_slice %arg2[%dma_start3A_39, %dma_start3A_40] : memref<10112x128xf32, #tpu.memory_space<hbm>> -> memref<10112x128xf32, #tpu.memory_space<hbm>>
        tpu.enqueue_indirect_dma source(%dma_start3A_41 : memref<10112x128xf32, #tpu.memory_space<hbm>>) target(%arg11 : memref<112x128xf32, #tpu.memory_space<vmem>>) offsets(%dma_start3A_38 : memref<112xi32, #tpu.memory_space<vmem>>) semaphore(%arg15 : memref<!tpu.dma_semaphore, #tpu.memory_space<semaphore_mem>>)
        %dma_wait3A = arith.constant 0 : i32
        %dma_wait3A_42 = tpu.memref_slice %arg7[%add3A_20, %dma_wait3A] : memref<15x112xi32, #tpu.memory_space<vmem>> -> memref<1x112xi32, #tpu.memory_space<vmem>>
        %dma_wait3A_43 = tpu.memref_squeeze %dma_wait3A_42 : memref<1x112xi32, #tpu.memory_space<vmem>> -> memref<112xi32, #tpu.memory_space<vmem>>
        %dma_wait3A_44 = arith.constant 0 : i32
        %dma_wait3A_45 = arith.constant 0 : i32
        %dma_wait3A_46 = tpu.memref_slice %arg2[%dma_wait3A_44, %dma_wait3A_45] : memref<10112x128xf32, #tpu.memory_space<hbm>> -> memref<10112x128xf32, #tpu.memory_space<hbm>>
        tpu.wait_indirect_dma semaphore(%arg13 : memref<!tpu.dma_semaphore, #tpu.memory_space<semaphore_mem>>) src(%dma_wait3A_46 : memref<10112x128xf32, #tpu.memory_space<hbm>>) dst(%arg9 : memref<112x128xf32, #tpu.memory_space<vmem>>)
        %add3A_47 = arith.constant 0 : i32
        %add3A_48 = arith.addi %mul3A_18, %add3A_47 : i32
        %dma_start3A_49 = arith.constant 0 : i32
        %dma_start3A_50 = tpu.memref_slice %arg8[%add3A_48, %dma_start3A_49] : memref<15x112xi32, #tpu.memory_space<vmem>> -> memref<1x112xi32, #tpu.memory_space<vmem>>
        %dma_start3A_51 = tpu.memref_squeeze %dma_start3A_50 : memref<1x112xi32, #tpu.memory_space<vmem>> -> memref<112xi32, #tpu.memory_space<vmem>>
        %dma_start3A_52 = arith.constant 0 : i32
        %dma_start3A_53 = arith.constant 0 : i32
        %dma_start3A_54 = tpu.memref_slice %arg12[%dma_start3A_52, %dma_start3A_53] : memref<10112x128xf32, #tpu.memory_space<vmem_shared>> -> memref<10112x128xf32, #tpu.memory_space<vmem_shared>>
        tpu.enqueue_indirect_dma source(%arg9 : memref<112x128xf32, #tpu.memory_space<vmem>>) target(%dma_start3A_54 : memref<10112x128xf32, #tpu.memory_space<vmem_shared>>) offsets(%dma_start3A_51 : memref<112xi32, #tpu.memory_space<vmem>>) semaphore(%arg16 : memref<!tpu.dma_semaphore, #tpu.memory_space<semaphore_mem>>) {add = true}
        %dma_wait3A_55 = arith.constant 0 : i32
        %dma_wait3A_56 = tpu.memref_slice %arg7[%add3A_27, %dma_wait3A_55] : memref<15x112xi32, #tpu.memory_space<vmem>> -> memref<1x112xi32, #tpu.memory_space<vmem>>
        %dma_wait3A_57 = tpu.memref_squeeze %dma_wait3A_56 : memref<1x112xi32, #tpu.memory_space<vmem>> -> memref<112xi32, #tpu.memory_space<vmem>>
        %dma_wait3A_58 = arith.constant 0 : i32
        %dma_wait3A_59 = arith.constant 0 : i32
        %dma_wait3A_60 = tpu.memref_slice %arg2[%dma_wait3A_58, %dma_wait3A_59] : memref<10112x128xf32, #tpu.memory_space<hbm>> -> memref<10112x128xf32, #tpu.memory_space<hbm>>
        tpu.wait_indirect_dma semaphore(%arg14 : memref<!tpu.dma_semaphore, #tpu.memory_space<semaphore_mem>>) src(%dma_wait3A_60 : memref<10112x128xf32, #tpu.memory_space<hbm>>) dst(%arg10 : memref<112x128xf32, #tpu.memory_space<vmem>>)
        %add3A_61 = arith.constant 1 : i32
        %add3A_62 = arith.addi %mul3A_18, %add3A_61 : i32
        %dma_start3A_63 = arith.constant 0 : i32
        %dma_start3A_64 = tpu.memref_slice %arg8[%add3A_62, %dma_start3A_63] : memref<15x112xi32, #tpu.memory_space<vmem>> -> memref<1x112xi32, #tpu.memory_space<vmem>>
        %dma_start3A_65 = tpu.memref_squeeze %dma_start3A_64 : memref<1x112xi32, #tpu.memory_space<vmem>> -> memref<112xi32, #tpu.memory_space<vmem>>
        %dma_start3A_66 = arith.constant 0 : i32
        %dma_start3A_67 = arith.constant 0 : i32
        %dma_start3A_68 = tpu.memref_slice %arg12[%dma_start3A_66, %dma_start3A_67] : memref<10112x128xf32, #tpu.memory_space<vmem_shared>> -> memref<10112x128xf32, #tpu.memory_space<vmem_shared>>
        tpu.enqueue_indirect_dma source(%arg10 : memref<112x128xf32, #tpu.memory_space<vmem>>) target(%dma_start3A_68 : memref<10112x128xf32, #tpu.memory_space<vmem_shared>>) offsets(%dma_start3A_65 : memref<112xi32, #tpu.memory_space<vmem>>) semaphore(%arg17 : memref<!tpu.dma_semaphore, #tpu.memory_space<semaphore_mem>>) {add = true}
        %dma_wait3A_69 = arith.constant 0 : i32
        %dma_wait3A_70 = tpu.memref_slice %arg7[%add3A_35, %dma_wait3A_69] : memref<15x112xi32, #tpu.memory_space<vmem>> -> memref<1x112xi32, #tpu.memory_space<vmem>>
        %dma_wait3A_71 = tpu.memref_squeeze %dma_wait3A_70 : memref<1x112xi32, #tpu.memory_space<vmem>> -> memref<112xi32, #tpu.memory_space<vmem>>
        %dma_wait3A_72 = arith.constant 0 : i32
        %dma_wait3A_73 = arith.constant 0 : i32
        %dma_wait3A_74 = tpu.memref_slice %arg2[%dma_wait3A_72, %dma_wait3A_73] : memref<10112x128xf32, #tpu.memory_space<hbm>> -> memref<10112x128xf32, #tpu.memory_space<hbm>>
        tpu.wait_indirect_dma semaphore(%arg15 : memref<!tpu.dma_semaphore, #tpu.memory_space<semaphore_mem>>) src(%dma_wait3A_74 : memref<10112x128xf32, #tpu.memory_space<hbm>>) dst(%arg11 : memref<112x128xf32, #tpu.memory_space<vmem>>)
        %add3A_75 = arith.constant 2 : i32
        %add3A_76 = arith.addi %mul3A_18, %add3A_75 : i32
        %dma_start3A_77 = arith.constant 0 : i32
        %dma_start3A_78 = tpu.memref_slice %arg8[%add3A_76, %dma_start3A_77] : memref<15x112xi32, #tpu.memory_space<vmem>> -> memref<1x112xi32, #tpu.memory_space<vmem>>
        %dma_start3A_79 = tpu.memref_squeeze %dma_start3A_78 : memref<1x112xi32, #tpu.memory_space<vmem>> -> memref<112xi32, #tpu.memory_space<vmem>>
        %dma_start3A_80 = arith.constant 0 : i32
        %dma_start3A_81 = arith.constant 0 : i32
        %dma_start3A_82 = tpu.memref_slice %arg12[%dma_start3A_80, %dma_start3A_81] : memref<10112x128xf32, #tpu.memory_space<vmem_shared>> -> memref<10112x128xf32, #tpu.memory_space<vmem_shared>>
        tpu.enqueue_indirect_dma source(%arg11 : memref<112x128xf32, #tpu.memory_space<vmem>>) target(%dma_start3A_82 : memref<10112x128xf32, #tpu.memory_space<vmem_shared>>) offsets(%dma_start3A_79 : memref<112xi32, #tpu.memory_space<vmem>>) semaphore(%arg18 : memref<!tpu.dma_semaphore, #tpu.memory_space<semaphore_mem>>) {add = true}
        %dma_wait3A_83 = arith.constant 0 : i32
        %dma_wait3A_84 = tpu.memref_slice %arg8[%add3A_48, %dma_wait3A_83] : memref<15x112xi32, #tpu.memory_space<vmem>> -> memref<1x112xi32, #tpu.memory_space<vmem>>
        %dma_wait3A_85 = tpu.memref_squeeze %dma_wait3A_84 : memref<1x112xi32, #tpu.memory_space<vmem>> -> memref<112xi32, #tpu.memory_space<vmem>>
        %dma_wait3A_86 = arith.constant 0 : i32
        %dma_wait3A_87 = arith.constant 0 : i32
        %dma_wait3A_88 = tpu.memref_slice %arg12[%dma_wait3A_86, %dma_wait3A_87] : memref<10112x128xf32, #tpu.memory_space<vmem_shared>> -> memref<10112x128xf32, #tpu.memory_space<vmem_shared>>
        tpu.wait_indirect_dma semaphore(%arg16 : memref<!tpu.dma_semaphore, #tpu.memory_space<semaphore_mem>>) src(%arg9 : memref<112x128xf32, #tpu.memory_space<vmem>>) dst(%dma_wait3A_88 : memref<10112x128xf32, #tpu.memory_space<vmem_shared>>)
        %dma_wait3A_89 = arith.constant 0 : i32
        %dma_wait3A_90 = tpu.memref_slice %arg8[%add3A_62, %dma_wait3A_89] : memref<15x112xi32, #tpu.memory_space<vmem>> -> memref<1x112xi32, #tpu.memory_space<vmem>>
        %dma_wait3A_91 = tpu.memref_squeeze %dma_wait3A_90 : memref<1x112xi32, #tpu.memory_space<vmem>> -> memref<112xi32, #tpu.memory_space<vmem>>
        %dma_wait3A_92 = arith.constant 0 : i32
        %dma_wait3A_93 = arith.constant 0 : i32
        %dma_wait3A_94 = tpu.memref_slice %arg12[%dma_wait3A_92, %dma_wait3A_93] : memref<10112x128xf32, #tpu.memory_space<vmem_shared>> -> memref<10112x128xf32, #tpu.memory_space<vmem_shared>>
        tpu.wait_indirect_dma semaphore(%arg17 : memref<!tpu.dma_semaphore, #tpu.memory_space<semaphore_mem>>) src(%arg10 : memref<112x128xf32, #tpu.memory_space<vmem>>) dst(%dma_wait3A_94 : memref<10112x128xf32, #tpu.memory_space<vmem_shared>>)
        %dma_wait3A_95 = arith.constant 0 : i32
        %dma_wait3A_96 = tpu.memref_slice %arg8[%add3A_76, %dma_wait3A_95] : memref<15x112xi32, #tpu.memory_space<vmem>> -> memref<1x112xi32, #tpu.memory_space<vmem>>
        %dma_wait3A_97 = tpu.memref_squeeze %dma_wait3A_96 : memref<1x112xi32, #tpu.memory_space<vmem>> -> memref<112xi32, #tpu.memory_space<vmem>>
        %dma_wait3A_98 = arith.constant 0 : i32
        %dma_wait3A_99 = arith.constant 0 : i32
        %dma_wait3A_100 = tpu.memref_slice %arg12[%dma_wait3A_98, %dma_wait3A_99] : memref<10112x128xf32, #tpu.memory_space<vmem_shared>> -> memref<10112x128xf32, #tpu.memory_space<vmem_shared>>
        tpu.wait_indirect_dma semaphore(%arg18 : memref<!tpu.dma_semaphore, #tpu.memory_space<semaphore_mem>>) src(%arg11 : memref<112x128xf32, #tpu.memory_space<vmem>>) dst(%dma_wait3A_100 : memref<10112x128xf32, #tpu.memory_space<vmem_shared>>)
      }
      %scan3A_15 = arith.constant 5 : i32
    }
    %scan3A_7 = arith.constant 6 : i32
    %barrier3A_8 = arith.constant 0 : index
    tpu.barrier barrier_id(%barrier3A_8)
    "tpu.region"() ({
      %run_scoped3A = tpu.sem_alloc : memref<!tpu.dma_semaphore, #tpu.memory_space<semaphore_mem>>
      %dma_start3A = arith.constant 0 : i32
      %dma_start3A_9 = tpu.memref_slice %arg6[%arg0, %mul3A_0, %dma_start3A] : memref<2x10112x128xf32, #tpu.memory_space<hbm>> -> memref<1x632x128xf32, #tpu.memory_space<hbm>>
      %dma_start3A_10 = tpu.memref_squeeze %dma_start3A_9 : memref<1x632x128xf32, #tpu.memory_space<hbm>> -> memref<632x128xf32, #tpu.memory_space<hbm>>
      %dma_start3A_11 = arith.constant 0 : i32
      %dma_start3A_12 = tpu.memref_slice %arg12[%mul3A_0, %dma_start3A_11] : memref<10112x128xf32, #tpu.memory_space<vmem_shared>> -> memref<632x128xf32, #tpu.memory_space<vmem_shared>>
      tpu.enqueue_dma source(%dma_start3A_12 : memref<632x128xf32, #tpu.memory_space<vmem_shared>>) target(%dma_start3A_10 : memref<632x128xf32, #tpu.memory_space<hbm>>) target_semaphore(%run_scoped3A : memref<!tpu.dma_semaphore, #tpu.memory_space<semaphore_mem>>)
      %dma_wait3A = arith.constant 0 : i32
      %dma_wait3A_13 = tpu.memref_slice %arg6[%arg0, %mul3A_0, %dma_wait3A] : memref<2x10112x128xf32, #tpu.memory_space<hbm>> -> memref<1x632x128xf32, #tpu.memory_space<hbm>>
      %dma_wait3A_14 = tpu.memref_squeeze %dma_wait3A_13 : memref<1x632x128xf32, #tpu.memory_space<hbm>> -> memref<632x128xf32, #tpu.memory_space<hbm>>
      %dma_wait3A_15 = arith.constant 0 : i32
      %dma_wait3A_16 = tpu.memref_slice %arg12[%mul3A_0, %dma_wait3A_15] : memref<10112x128xf32, #tpu.memory_space<vmem_shared>> -> memref<632x128xf32, #tpu.memory_space<vmem_shared>>
      tpu.wait_dma2 semaphore(%run_scoped3A : memref<!tpu.dma_semaphore, #tpu.memory_space<semaphore_mem>>) src(%dma_wait3A_16 : memref<632x128xf32, #tpu.memory_space<vmem_shared>>) dst(%dma_wait3A_14 : memref<632x128xf32, #tpu.memory_space<hbm>>)
      tpu.yield
    }) : () -> ()
    return
  }
}

module attributes {stable_mosaic.version = 14 : i64} {
  func.func @_tc1_body(%arg0: i32, %arg1: memref<1264x128xf32, #tpu.memory_space<vmem>>, %arg2: memref<128x128xf32, #tpu.memory_space<vmem>>, %arg3: memref<1264x2xf32, #tpu.memory_space<vmem>>, %arg4: memref<1264x128xf32, #tpu.memory_space<vmem>>) attributes {dimension_semantics = [#tpu.dimension_semantics<arbitrary>], iteration_bounds = array<i64: 8>, scalar_prefetch = 0 : i64, scratch_operands = 0 : i64, tpu.core_type = #tpu.core_type<tc>, window_params = [{transform_indices = @transform_0, window_bounds = array<i64: 1264, 128>}, {pipeline_mode = #tpu.pipeline_mode<synchronous>, transform_indices = @transform_1, window_bounds = array<i64: 128, 128>}, {transform_indices = @transform_2, window_bounds = array<i64: 1264, 2>}, {transform_indices = @transform_3, window_bounds = array<i64: 1264, 128>}]} {
    %get3A = arith.constant 0 : index
    %get3A_0 = arith.constant 0 : index
    %get3A_1 = vector.load %arg3[%get3A, %get3A_0] : memref<1264x2xf32, #tpu.memory_space<vmem>>, vector<1264x1xf32>
    %get3A_2 = vector.shape_cast %get3A_1 : vector<1264x1xf32> to vector<1264xf32>
    %get3A_3 = arith.constant 0 : index
    %get3A_4 = arith.constant 1 : index
    %get3A_5 = vector.load %arg3[%get3A_3, %get3A_4] : memref<1264x2xf32, #tpu.memory_space<vmem>>, vector<1264x1xf32>
    %get3A_6 = vector.shape_cast %get3A_5 : vector<1264x1xf32> to vector<1264xf32>
    %add3A = arith.addf %get3A_2, %get3A_6 : vector<1264xf32>
    %add3A_7 = arith.constant 1.000000e+00 : f32
    %add3A_8 = vector.broadcast %add3A_7 : f32 to vector<1264xf32>
    %add3A_9 = arith.addf %add3A, %add3A_8 : vector<1264xf32>
    %rsqrt3A = math.rsqrt %add3A_9 : vector<1264xf32>
    %get3A_10 = arith.constant 0 : index
    %get3A_11 = arith.constant 0 : index
    %get3A_12 = vector.load %arg1[%get3A_10, %get3A_11] : memref<1264x128xf32, #tpu.memory_space<vmem>>, vector<1264x128xf32>
    %get3A_13 = arith.constant 0 : index
    %get3A_14 = arith.constant 0 : index
    %get3A_15 = vector.load %arg2[%get3A_13, %get3A_14] : memref<128x128xf32, #tpu.memory_space<vmem>>, vector<128x128xf32>
    %dot_general3A = arith.constant dense<0.000000e+00> : vector<1264x128xf32>
    %dot_general3A_16 = tpu.matmul %get3A_12, %get3A_15, %dot_general3A {dimension_numbers = #tpu.dot_dimension_numbers<[1], [0], [0], [1], [0, 0, 1, 1], [], []>, transpose_lhs_hint = false} : vector<1264x128xf32>, vector<128x128xf32>, vector<1264x128xf32> -> vector<1264x128xf32>
    %broadcast_in_dim3A = vector.shape_cast %rsqrt3A : vector<1264xf32> to vector<1264x1xf32>
    %mul3A = vector.broadcast %broadcast_in_dim3A : vector<1264x1xf32> to vector<1264x128xf32>
    %mul3A_17 = arith.mulf %dot_general3A_16, %mul3A : vector<1264x128xf32>
    %swap3A = arith.constant 0 : index
    %swap3A_18 = arith.constant 0 : index
    %swap3A_19 = vector.load %arg4[%swap3A, %swap3A_18] : memref<1264x128xf32, #tpu.memory_space<vmem>>, vector<1264x128xf32>
    tpu.vector_store %arg4[%swap3A, %swap3A_18], %mul3A_17 {strides = array<i32>} : memref<1264x128xf32, #tpu.memory_space<vmem>>, vector<1264x128xf32>,
    return
  }
  func.func @transform_0(%arg0: i32) -> (i32, i32) {
    %c0_i32 = arith.constant 0 : i32
    %c0_i32_0 = arith.constant 0 : i32
    return %arg0, %c0_i32 : i32, i32
  }
  func.func @transform_1(%arg0: i32) -> (i32, i32) {
    %c0_i32 = arith.constant 0 : i32
    %c0_i32_0 = arith.constant 0 : i32
    %c0_i32_1 = arith.constant 0 : i32
    return %c0_i32, %c0_i32_0 : i32, i32
  }
  func.func @transform_2(%arg0: i32) -> (i32, i32) {
    %c0_i32 = arith.constant 0 : i32
    %c0_i32_0 = arith.constant 0 : i32
    return %arg0, %c0_i32 : i32, i32
  }
  func.func @transform_3(%arg0: i32) -> (i32, i32) {
    %c0_i32 = arith.constant 0 : i32
    %c0_i32_0 = arith.constant 0 : i32
    return %arg0, %c0_i32 : i32, i32
  }
}

module attributes {stable_mosaic.version = 14 : i64} {
  func.func @_tc2_body(%arg0: i32, %arg1: memref<2x1264x128xf32, #tpu.memory_space<vmem>>, %arg2: memref<1264x128xf32, #tpu.memory_space<vmem>>, %arg3: memref<1264x2xf32, #tpu.memory_space<vmem>>, %arg4: memref<128x128xf32, #tpu.memory_space<vmem>>, %arg5: memref<1x128xf32, #tpu.memory_space<vmem>>, %arg6: memref<1264x128xf32, #tpu.memory_space<vmem>>) attributes {dimension_semantics = [#tpu.dimension_semantics<arbitrary>], iteration_bounds = array<i64: 8>, scalar_prefetch = 0 : i64, scratch_operands = 0 : i64, tpu.core_type = #tpu.core_type<tc>, window_params = [{transform_indices = @transform_0, window_bounds = array<i64: 2, 1264, 128>}, {transform_indices = @transform_1, window_bounds = array<i64: 1264, 128>}, {transform_indices = @transform_2, window_bounds = array<i64: 1264, 2>}, {pipeline_mode = #tpu.pipeline_mode<synchronous>, transform_indices = @transform_3, window_bounds = array<i64: 128, 128>}, {pipeline_mode = #tpu.pipeline_mode<synchronous>, transform_indices = @transform_4, window_bounds = array<i64: 1, 128>}, {transform_indices = @transform_5, window_bounds = array<i64: 1264, 128>}]} {
    %get3A = arith.constant 0 : index
    %get3A_0 = arith.constant 0 : index
    %get3A_1 = vector.load %arg3[%get3A, %get3A_0] : memref<1264x2xf32, #tpu.memory_space<vmem>>, vector<1264x1xf32>
    %get3A_2 = vector.shape_cast %get3A_1 : vector<1264x1xf32> to vector<1264xf32>
    %get3A_3 = arith.constant 0 : index
    %get3A_4 = arith.constant 1 : index
    %get3A_5 = vector.load %arg3[%get3A_3, %get3A_4] : memref<1264x2xf32, #tpu.memory_space<vmem>>, vector<1264x1xf32>
    %get3A_6 = vector.shape_cast %get3A_5 : vector<1264x1xf32> to vector<1264xf32>
    %add3A = arith.addf %get3A_2, %get3A_6 : vector<1264xf32>
    %add3A_7 = arith.constant 1.000000e+00 : f32
    %add3A_8 = vector.broadcast %add3A_7 : f32 to vector<1264xf32>
    %add3A_9 = arith.addf %add3A, %add3A_8 : vector<1264xf32>
    %rsqrt3A = math.rsqrt %add3A_9 : vector<1264xf32>
    %get3A_10 = arith.constant 0 : index
    %get3A_11 = arith.constant 0 : index
    %get3A_12 = arith.constant 0 : index
    %get3A_13 = vector.load %arg1[%get3A_10, %get3A_11, %get3A_12] : memref<2x1264x128xf32, #tpu.memory_space<vmem>>, vector<1x1264x128xf32>
    %get3A_14 = vector.shape_cast %get3A_13 : vector<1x1264x128xf32> to vector<1264x128xf32>
    %get3A_15 = arith.constant 1 : index
    %get3A_16 = arith.constant 0 : index
    %get3A_17 = arith.constant 0 : index
    %get3A_18 = vector.load %arg1[%get3A_15, %get3A_16, %get3A_17] : memref<2x1264x128xf32, #tpu.memory_space<vmem>>, vector<1x1264x128xf32>
    %get3A_19 = vector.shape_cast %get3A_18 : vector<1x1264x128xf32> to vector<1264x128xf32>
    %add3A_20 = arith.addf %get3A_14, %get3A_19 : vector<1264x128xf32>
    %get3A_21 = arith.constant 0 : index
    %get3A_22 = arith.constant 0 : index
    %get3A_23 = vector.load %arg2[%get3A_21, %get3A_22] : memref<1264x128xf32, #tpu.memory_space<vmem>>, vector<1264x128xf32>
    %add3A_24 = arith.addf %add3A_20, %get3A_23 : vector<1264x128xf32>
    %broadcast_in_dim3A = vector.shape_cast %rsqrt3A : vector<1264xf32> to vector<1264x1xf32>
    %mul3A = vector.broadcast %broadcast_in_dim3A : vector<1264x1xf32> to vector<1264x128xf32>
    %mul3A_25 = arith.mulf %add3A_24, %mul3A : vector<1264x128xf32>
    %get3A_26 = arith.constant 0 : index
    %get3A_27 = arith.constant 0 : index
    %get3A_28 = vector.load %arg5[%get3A_26, %get3A_27] : memref<1x128xf32, #tpu.memory_space<vmem>>, vector<1x128xf32>
    %add3A_29 = vector.broadcast %get3A_28 : vector<1x128xf32> to vector<1264x128xf32>
    %add3A_30 = arith.addf %mul3A_25, %add3A_29 : vector<1264x128xf32>
    %get3A_31 = arith.constant 0 : index
    %get3A_32 = arith.constant 0 : index
    %get3A_33 = vector.load %arg4[%get3A_31, %get3A_32] : memref<128x128xf32, #tpu.memory_space<vmem>>, vector<128x128xf32>
    %dot_general3A = arith.constant dense<0.000000e+00> : vector<1264x128xf32>
    %dot_general3A_34 = tpu.matmul %add3A_30, %get3A_33, %dot_general3A {dimension_numbers = #tpu.dot_dimension_numbers<[1], [0], [0], [1], [0, 0, 1, 1], [], []>, transpose_lhs_hint = false} : vector<1264x128xf32>, vector<128x128xf32>, vector<1264x128xf32> -> vector<1264x128xf32>
    %broadcast_in_dim3A_35 = vector.shape_cast %rsqrt3A : vector<1264xf32> to vector<1264x1xf32>
    %mul3A_36 = vector.broadcast %broadcast_in_dim3A_35 : vector<1264x1xf32> to vector<1264x128xf32>
    %mul3A_37 = arith.mulf %dot_general3A_34, %mul3A_36 : vector<1264x128xf32>
    %swap3A = arith.constant 0 : index
    %swap3A_38 = arith.constant 0 : index
    %swap3A_39 = vector.load %arg6[%swap3A, %swap3A_38] : memref<1264x128xf32, #tpu.memory_space<vmem>>, vector<1264x128xf32>
    tpu.vector_store %arg6[%swap3A, %swap3A_38], %mul3A_37 {strides = array<i32>} : memref<1264x128xf32, #tpu.memory_space<vmem>>, vector<1264x128xf32>,
    return
  }
  func.func @transform_0(%arg0: i32) -> (i32, i32, i32) {
    %c0_i32 = arith.constant 0 : i32
    %c0_i32_0 = arith.constant 0 : i32
    %c0_i32_1 = arith.constant 0 : i32
    return %c0_i32, %arg0, %c0_i32_0 : i32, i32, i32
  }
  func.func @transform_1(%arg0: i32) -> (i32, i32) {
    %c0_i32 = arith.constant 0 : i32
    %c0_i32_0 = arith.constant 0 : i32
    return %arg0, %c0_i32 : i32, i32
  }
  func.func @transform_2(%arg0: i32) -> (i32, i32) {
    %c0_i32 = arith.constant 0 : i32
    %c0_i32_0 = arith.constant 0 : i32
    return %arg0, %c0_i32 : i32, i32
  }
  func.func @transform_3(%arg0: i32) -> (i32, i32) {
    %c0_i32 = arith.constant 0 : i32
    %c0_i32_0 = arith.constant 0 : i32
    %c0_i32_1 = arith.constant 0 : i32
    return %c0_i32, %c0_i32_0 : i32, i32
  }
  func.func @transform_4(%arg0: i32) -> (i32, i32) {
    %c0_i32 = arith.constant 0 : i32
    %c0_i32_0 = arith.constant 0 : i32
    %c0_i32_1 = arith.constant 0 : i32
    return %c0_i32, %c0_i32_0 : i32, i32
  }
  func.func @transform_5(%arg0: i32) -> (i32, i32) {
    %c0_i32 = arith.constant 0 : i32
    %c0_i32_0 = arith.constant 0 : i32
    return %arg0, %c0_i32 : i32, i32
  }
}

module attributes {stable_mosaic.version = 14 : i64} {
  func.func @_tc3_body(%arg0: i32, %arg1: memref<2x1264x128xf32, #tpu.memory_space<vmem>>, %arg2: memref<1264x128xf32, #tpu.memory_space<vmem>>, %arg3: memref<1264x2xf32, #tpu.memory_space<vmem>>, %arg4: memref<1x128xf32, #tpu.memory_space<vmem>>, %arg5: memref<1264x128xf32, #tpu.memory_space<vmem>>) attributes {dimension_semantics = [#tpu.dimension_semantics<arbitrary>], iteration_bounds = array<i64: 8>, scalar_prefetch = 0 : i64, scratch_operands = 0 : i64, tpu.core_type = #tpu.core_type<tc>, window_params = [{transform_indices = @transform_0, window_bounds = array<i64: 2, 1264, 128>}, {transform_indices = @transform_1, window_bounds = array<i64: 1264, 128>}, {transform_indices = @transform_2, window_bounds = array<i64: 1264, 2>}, {pipeline_mode = #tpu.pipeline_mode<synchronous>, transform_indices = @transform_3, window_bounds = array<i64: 1, 128>}, {transform_indices = @transform_4, window_bounds = array<i64: 1264, 128>}]} {
    %get3A = arith.constant 0 : index
    %get3A_0 = arith.constant 0 : index
    %get3A_1 = vector.load %arg3[%get3A, %get3A_0] : memref<1264x2xf32, #tpu.memory_space<vmem>>, vector<1264x1xf32>
    %get3A_2 = vector.shape_cast %get3A_1 : vector<1264x1xf32> to vector<1264xf32>
    %get3A_3 = arith.constant 0 : index
    %get3A_4 = arith.constant 1 : index
    %get3A_5 = vector.load %arg3[%get3A_3, %get3A_4] : memref<1264x2xf32, #tpu.memory_space<vmem>>, vector<1264x1xf32>
    %get3A_6 = vector.shape_cast %get3A_5 : vector<1264x1xf32> to vector<1264xf32>
    %add3A = arith.addf %get3A_2, %get3A_6 : vector<1264xf32>
    %add3A_7 = arith.constant 1.000000e+00 : f32
    %add3A_8 = vector.broadcast %add3A_7 : f32 to vector<1264xf32>
    %add3A_9 = arith.addf %add3A, %add3A_8 : vector<1264xf32>
    %rsqrt3A = math.rsqrt %add3A_9 : vector<1264xf32>
    %get3A_10 = arith.constant 0 : index
    %get3A_11 = arith.constant 0 : index
    %get3A_12 = arith.constant 0 : index
    %get3A_13 = vector.load %arg1[%get3A_10, %get3A_11, %get3A_12] : memref<2x1264x128xf32, #tpu.memory_space<vmem>>, vector<1x1264x128xf32>
    %get3A_14 = vector.shape_cast %get3A_13 : vector<1x1264x128xf32> to vector<1264x128xf32>
    %get3A_15 = arith.constant 1 : index
    %get3A_16 = arith.constant 0 : index
    %get3A_17 = arith.constant 0 : index
    %get3A_18 = vector.load %arg1[%get3A_15, %get3A_16, %get3A_17] : memref<2x1264x128xf32, #tpu.memory_space<vmem>>, vector<1x1264x128xf32>
    %get3A_19 = vector.shape_cast %get3A_18 : vector<1x1264x128xf32> to vector<1264x128xf32>
    %add3A_20 = arith.addf %get3A_14, %get3A_19 : vector<1264x128xf32>
    %get3A_21 = arith.constant 0 : index
    %get3A_22 = arith.constant 0 : index
    %get3A_23 = vector.load %arg2[%get3A_21, %get3A_22] : memref<1264x128xf32, #tpu.memory_space<vmem>>, vector<1264x128xf32>
    %add3A_24 = arith.addf %add3A_20, %get3A_23 : vector<1264x128xf32>
    %broadcast_in_dim3A = vector.shape_cast %rsqrt3A : vector<1264xf32> to vector<1264x1xf32>
    %mul3A = vector.broadcast %broadcast_in_dim3A : vector<1264x1xf32> to vector<1264x128xf32>
    %mul3A_25 = arith.mulf %add3A_24, %mul3A : vector<1264x128xf32>
    %get3A_26 = arith.constant 0 : index
    %get3A_27 = arith.constant 0 : index
    %get3A_28 = vector.load %arg4[%get3A_26, %get3A_27] : memref<1x128xf32, #tpu.memory_space<vmem>>, vector<1x128xf32>
    %add3A_29 = vector.broadcast %get3A_28 : vector<1x128xf32> to vector<1264x128xf32>
    %add3A_30 = arith.addf %mul3A_25, %add3A_29 : vector<1264x128xf32>
    %swap3A = arith.constant 0 : index
    %swap3A_31 = arith.constant 0 : index
    %swap3A_32 = vector.load %arg5[%swap3A, %swap3A_31] : memref<1264x128xf32, #tpu.memory_space<vmem>>, vector<1264x128xf32>
    tpu.vector_store %arg5[%swap3A, %swap3A_31], %add3A_30 {strides = array<i32>} : memref<1264x128xf32, #tpu.memory_space<vmem>>, vector<1264x128xf32>,
    return
  }
  func.func @transform_0(%arg0: i32) -> (i32, i32, i32) {
    %c0_i32 = arith.constant 0 : i32
    %c0_i32_0 = arith.constant 0 : i32
    %c0_i32_1 = arith.constant 0 : i32
    return %c0_i32, %arg0, %c0_i32_0 : i32, i32, i32
  }
  func.func @transform_1(%arg0: i32) -> (i32, i32) {
    %c0_i32 = arith.constant 0 : i32
    %c0_i32_0 = arith.constant 0 : i32
    return %arg0, %c0_i32 : i32, i32
  }
  func.func @transform_2(%arg0: i32) -> (i32, i32) {
    %c0_i32 = arith.constant 0 : i32
    %c0_i32_0 = arith.constant 0 : i32
    return %arg0, %c0_i32 : i32, i32
  }
  func.func @transform_3(%arg0: i32) -> (i32, i32) {
    %c0_i32 = arith.constant 0 : i32
    %c0_i32_0 = arith.constant 0 : i32
    %c0_i32_1 = arith.constant 0 : i32
    return %c0_i32, %c0_i32_0 : i32, i32
  }
  func.func @transform_4(%arg0: i32) -> (i32, i32) {
    %c0_i32 = arith.constant 0 : i32
    %c0_i32_0 = arith.constant 0 : i32
    return %arg0, %c0_i32 : i32, i32
  }
}

</mosaic_0001>

<sc_bundles>
// kernel: kernel.11.cloned.1.call-start
scs
__scs_entry_jumppad:
0x0: {  	(pc) =	sbr.rel $0x88, $3  }
0x1: {  	(tag) =	ssettag $0x0;
	lr =	simm.s32 $0x1  }
0x2: {  	[smem:$0x3F9B] =	sst lr;
	_ =	strace $0xD0000000  }
0x3: {  	_ = 	snop  }
0x4: {  	_ = 	snop  }
0x5: {  	_ = 	snop  }
0x6: {  	_ = 	snop  }
0x7: {  	_ = 	snop  }
__scs_overlays_trampoline_lowered:
0x8: {  	[smem:$0x3FAA] =	sst s0  }
0x9: {  	[smem:$0x3FAB] =	sst s1  }
0xa: {  	[smem:$0x3FAC] =	sst s2  }
0xb: {  	[smem:$0x3FAD] =	sst s3  }
0xc: {  	[smem:$0x3FAE] =	sst s4  }
0xd: {  	[smem:$0x3FAF] =	sst s5  }
0xe: {  	[smem:$0x3FB0] =	sst s6  }
0xf: {  	[smem:$0x3FB1] =	sst s7  }
0x10: {  	[smem:$0x3FB2] =	sst s8  }
0x11: {  	[smem:$0x3FB3] =	sst s9;
	s0 =	simm.s32 @!p0 $0x0  }
0x12: {  	s1 =	sld [smem:$0x3F99];
	s0 =	simm.s32 @p0 $0x1  }
0x13: {  	[smem:$0x3FB4] =	sst s0;
	s0 =	simm.s32 @!p1 $0x0  }
0x14: {  	s2 =	sld [smem:$0x3F98];
	s0 =	simm.s32 @p1 $0x1  }
0x15: {  	[smem:$0x3FB5] =	sst s0;
	s0 =	simm.s32 @!p2 $0x0  }
0x16: {  	s3 =	sld [smem:$0x3FDB];
	s0 =	simm.s32 @p2 $0x1  }
0x17: {  	s4 =	simm.s32 $0x1BF5;
	[smem:$0x3FB7] =	sst s0  }
0x18: {  	s0 =	sld [smem:$0x3F9A];
	_ =	swait.ge [sflag:s4], $0x0  }
0x19: {  	s7 =	sld [smem:$0x3F9B]  }
0x1a: {  	s8 =	sadd.s32 $0xFFFFE003, lr  }
0x1b: {  	s9 =	sadd.s32 $0xFFFFFEF7, lr;
	s5 =	simm.s32 $0xFFFFFFFF;
	p2 =	slt.u32 s8, $0xFFFFF086  }
0x1c: {  	p1 =	slt.u32 s9, $0xF7A;
	s5 =	simm.s32 @!p2 $0x0  }
0x1d: {  	s5 =	simm.s32 @p1 $0x1;
	p0 =	seq.s32 s7, s2  }
0x1e: {  	s7 =	smul.u32 @!p0 $0xF7A, s2;
	p2 =	seq.s32 @!p0 s5, $0x0  }
0x1f: {  	s9 =	smul.u32 $0xF7A, s1;
	s8 =	simm.s32 @!p0 $0x1BF5;
	p2 =	por !p2, p0  }
0x20: {  	[sflag:s8] =	ssyncset.s32 @!p0 $0xFFFFF086;
	s6 =	sadd.s32 @!p0 s3, s7;
	s7 =	simm.s32 @!p0 $0x108  }
0x21: {  	s3 =	sadd.s32 s3, s9;
	s6 =	sadd.s32 @!p0 $0x88, s6;
	s7 =	simm.s32 @p2 $0x1082  }
0x22: {  	[simem:s7], [sflag:s8] =	dma.local @!p0 [hbm:s6], $0xF7A  }
0x23: {  	s9 =	sor.u32 $0xD0000000, s2;
	s6 =	simm.s32 $0x108;
	_ =	swait.ge @!p0 [sflag:s8], $0x0  }
0x24: {  	s3 =	sadd.s32 $0x88, s3;
	s6 =	simm.s32 @!p1 $0x1082;
	[sflag:s4] =	ssyncset.s32 $0xFFFFF086  }
0x25: {  	[simem:s6], [sflag:s4] =	dma.local [hbm:s3], $0xF7A  }
0x26: {  	[smem:$0x3F9B] =	sst s1;
	(tag) =	ssettag s2;
	_ =	strace s9  }
0x27: {  	s1 =	sld [smem:$0x3FAB]  }
0x28: {  	s2 =	sld [smem:$0x3FAC]  }
0x29: {  	s4 =	sld [smem:$0x3FAE]  }
0x2a: {  	p0 =	seq.s32 s5, $0x0;
	s5 =	sld [smem:$0x3FAF]  }
0x2b: {  	s6 =	sld [smem:$0x3FB0]  }
0x2c: {  	s7 =	sld [smem:$0x3FB1]  }
0x2d: {  	s3 =	simm.s32 $0x108;
	s8 =	sld [smem:$0x3FB2]  }
0x2e: {  	s3 =	simm.s32 @!p0 $0x1082;
	s9 =	sld [smem:$0x3FB3]  }
0x2f: {  	lr =	sadd.s32 s0, s3;
	s0 =	sld [smem:$0x3FAA]  }
0x30: {  	s3 =	sld [smem:$0x3FAD]  }
0x31: {  	[smem:$0x3FB6] =	sst s10  }
0x32: {  	s10 =	sld [smem:$0x3FB4];
	_ =	sdelay $0x3  }
0x33: {  	p0 =	seq.s32 s10, $0x1;
	s10 =	sld [smem:$0x3FB6];
	_ =	sdelay $0x3  }
0x34: {  	[smem:$0x3FB6] =	sst s10  }
0x35: {  	s10 =	sld [smem:$0x3FB5];
	_ =	sdelay $0x3  }
0x36: {  	p1 =	seq.s32 s10, $0x1;
	s10 =	sld [smem:$0x3FB6];
	_ =	sdelay $0x3  }
0x37: {  	[smem:$0x3FB6] =	sst s10  }
0x38: {  	s10 =	sld [smem:$0x3FB7]  }
0x39: {  	_ = 	snop;
	(pc) =	sbr.ind lr, $3  }
0x3a: {  	_ = 	snop  }
0x3b: {  	_ = 	snop  }
0x3c: {  	p2 =	seq.s32 s10, $0x1;
	s10 =	sld [smem:$0x3FB6]  }
0x3d: {  	_ =	shalt  }
0x3e: {  	_ =	shalt  }
0x3f: {  	_ =	shalt  }
0x40: {  	_ =	shalt  }
0x41: {  	_ =	shalt  }
0x42: {  	_ =	shalt  }
0x43: {  	_ =	shalt  }
0x44: {  	_ =	shalt  }
0x45: {  	_ =	shalt  }
0x46: {  	_ =	shalt  }
0x47: {  	_ =	shalt  }
0x48: {  	_ =	shalt  }
0x49: {  	_ =	shalt  }
0x4a: {  	_ =	shalt  }
0x4b: {  	_ =	shalt  }
0x4c: {  	_ =	shalt  }
0x4d: {  	_ =	shalt  }
0x4e: {  	_ =	shalt  }
0x4f: {  	_ =	shalt  }
0x50: {  	_ =	shalt  }
0x51: {  	_ =	shalt  }
0x52: {  	_ =	shalt  }
0x53: {  	_ =	shalt  }
0x54: {  	_ =	shalt  }
0x55: {  	_ =	shalt  }
0x56: {  	_ =	shalt  }
0x57: {  	_ =	shalt  }
0x58: {  	_ =	shalt  }
0x59: {  	_ =	shalt  }
0x5a: {  	_ =	shalt  }
0x5b: {  	_ =	shalt  }
0x5c: {  	_ =	shalt  }
0x5d: {  	_ =	shalt  }
0x5e: {  	_ =	shalt  }
0x5f: {  	_ =	shalt  }
0x60: {  	_ =	shalt  }
0x61: {  	_ =	shalt  }
0x62: {  	_ =	shalt  }
0x63: {  	_ =	shalt  }
0x64: {  	_ =	shalt  }
0x65: {  	_ =	shalt  }
0x66: {  	_ =	shalt  }
0x67: {  	_ =	shalt  }
0x68: {  	_ =	shalt  }
0x69: {  	_ =	shalt  }
0x6a: {  	_ =	shalt  }
0x6b: {  	_ =	shalt  }
0x6c: {  	_ =	shalt  }
0x6d: {  	_ =	shalt  }
0x6e: {  	_ =	shalt  }
0x6f: {  	_ =	shalt  }
0x70: {  	_ =	shalt  }
0x71: {  	_ =	shalt  }
0x72: {  	_ =	shalt  }
0x73: {  	_ =	shalt  }
0x74: {  	_ =	shalt  }
0x75: {  	_ =	shalt  }
0x76: {  	_ =	shalt  }
0x77: {  	_ =	shalt  }
0x78: {  	_ =	shalt  }
0x79: {  	_ =	shalt  }
0x7a: {  	_ =	shalt  }
0x7b: {  	_ =	shalt  }
0x7c: {  	_ =	shalt  }
0x7d: {  	_ =	shalt  }
0x7e: {  	_ =	shalt  }
0x7f: {  	_ =	shalt  }
0x80: {  	_ =	shalt  }
0x81: {  	_ =	shalt  }
0x82: {  	_ =	shalt  }
0x83: {  	_ =	shalt  }
0x84: {  	_ =	shalt  }
0x85: {  	_ =	shalt  }
0x86: {  	_ =	shalt  }
0x87: {  	_ =	shalt  }
.Lfunc_end0:
.L_simem_size_0:
called_computation.1_lowered:
.L_overlay_start_0:
0x88: {  	s2 =	sld [smem:$0x3FD9]  }
0x89: {  	s3 =	sld [smem:$0x3FFE];
	_ =	sdelay $0x1  }
0x8a: {  	s1 =	srdreg.scid  }
0x8b: {  	s0 =	sand.u32 $0x1, s1  }
0x8c: {  	s16 =	sshll.u32 s0, $0xA;
	s2 =	sadd.s32 s3, s2  }
0x8d: {  	s2 =	sadd.s32 s2, s16  }
0x8e: {  	[smem:$0x3FC2] =	sst s2  }
0x8f: {  	_ = 	snop  }
0x90: {  	(tm) =	ssettm $0x1  }
0x91: {  	s17 =	sld [smem:$0x3FFB];
	_ =	sdelay $0x3  }
0x92: {  	_ =	strace s17  }
0x93: {  	s2 =	sld [smem:$0x3FFC];
	_ =	sdelay $0x3  }
0x94: {  	_ =	strace s2  }
0x95: {  	s2 =	sld [smem:$0x3FFD];
	_ =	sdelay $0x3  }
0x96: {  	_ =	strace s2  }
0x97: {  	_ =	strace $0x8FFFFFFF  }
0x98: {  	s18 =	sld [smem:$0x3FDB];
	_ =	sdelay $0x1  }
0x99: {  	s19 =	simm.s32 $_scs_section_size  }
0x9a: {  	s4 =	simm.s32 $_size__tile_overlayer_lowered;
	s5 =	simm.s32 $_tile_overlayer_lowered  }
0x9b: {  	s22 =	simm.s32 $0x1BFF;
	s21 =	sshll.u32 s5, $0x1;
	s2 =	sadd.s32 s19, s18  }
0x9c: {  	s6 =	simm.s32 $0x0;
	s20 =	sshll.u32 s4, $0x1;
	s4 =	sadd.s32 s21, s2  }
0x9d: {  	[timem:s6], [sflag:s22] =	dma.local [hbm:s4], s20  }
0x9e: {  	_ =	swait.ge [sflag:s22], s20  }
0x9f: {  	s3 =	ssub.s32 $0x0, s20;
	[sflag:s22] =	ssyncset.done $0x0  }
0xa0: {  	[sflag:s22] =	ssyncadd.s32 s3;
	_ =	sdelay $0x1  }
0xa1: {  	s23 =	simm.s32 $0x1B8B  }
0xa2: {  	_ =	swait.ge [sflag:s23], $0x1  }
0xa3: {  	[sflag:s23] =	ssyncset.done $0x0  }
0xa4: {  	s25 =	simm.s32 $0x1B8E;
	s24 =	sld [smem:$0x3FFE];
	[sflag:s23] =	ssyncadd.s32 $0xFFFFFFFF  }
0xa5: {  	s26 =	simm.s32 $execute0_lowered;
	[smem:$0x3FD2] =	sst s25  }
0xa6: {  	s4 =	sshll.u32 s26, $0x1;
	_ =	strace $0x80000049;
	[dreg:$0x1] =	wrdreg $0xFFFFFFFF  }
0xa7: {  	s28 =	simm.s32 $_size_execute0_lowered;
	s2 =	sadd.s32 s2, s4;
	[dreg:$0x0] =	wrdreg $0x0  }
0xa8: {  	s4 =	sshll.u32 s28, $0x1;
	[dreg:$0x2] =	wrdreg s2  }
0xa9: {  	[dreg:$0x3] =	wrdreg s4  }
0xaa: {  	[dreg:$0x4] =	wrdreg $0xC0  }
0xab: {  	_ =	task [dreg:s6], $0x5FFFF  }
0xac: {  	[dreg:$0x1] =	wrdreg $0xFFFFFFFF  }
0xad: {  	[dreg:$0x0] =	wrdreg $0x60  }
0xae: {  	[dreg:$0x2] =	wrdreg s24  }
0xaf: {  	[dreg:$0x3] =	wrdreg $0xB8000  }
0xb0: {  	[dreg:$0x4] =	wrdreg $0x9  }
0xb1: {  	_ =	task.clear_ibuf [dreg:s6], $0x5FFFF;
	_ =	strace $0x90000049  }
0xb2: {  	s29 =	simm.s32 $0x9;
	_ =	strace $0x8000004B  }
0xb3: {  	_ =	swait.ge [sflag:s29], $0x1  }
0xb4: {  	[sflag:s29] =	ssyncadd.s32 $0xFFFFFFFF  }
0xb5: {  	_ =	strace $0x9000004B  }
0xb6: {  	_ =	sfence  }
0xb7: {  	s30 =	sld [smem:$0x0];
	_ =	sdelay $0x2  }
0xb8: {  	s31 =	sshll.u32 s1, $0xD;
	s1 =	sshrl.u32 s1, $0x2  }
0xb9: {  	s3 =	sand.u32 $0x4000, s31;
	s1 =	sadd.s32 s1, s30  }
0xba: {  	s0 =	sor.u32 s3, s0;
	s1 =	sshll.u32 s1, $0x11  }
0xbb: {  	s0 =	sor.u32 s1, s0  }
0xbc: {  	s0 =	sadd.s32 $0x8F2B, s0  }
0xbd: {  	[sflag:s0] =	ssyncadd.remote.s32 $0x1  }
0xbe: {  	_ =	sfence.sel $0xFFFF  }
0xbf: {  	[dreg:$0x0] =	wrdreg $0xFFFFFFFF;
	(pc) =	sbr.abs _section_cstart, $3  }
0xc0: {  	[dreg:$0x1] =	wrdreg $0xFFFFFFFF  }
0xc1: {  	_ =	task.clear_ibuf [dreg:s6], $0x2FFFF;
	_ =	strace $0x9FFFFFFF  }
0xc2: {  	(tm) =	ssettm $0x7FFFFFFF  }
0xc3: {  	_ =	shalt  }
tec
execute0_lowered:
.L_overlay_start_1:
0x0: {  	(tag) =	ssettag $0x1  }
0x1: {  	s0 =	srdreg.scid  }
0x2: {  	s1 =	rddreg [dreg:$0x0];
	s9 =	stileid.u32  }
0x3: {  	s2 =	rddreg [dreg:$0x1];
	s3 =	simm.s32 $0x0;
	s11 =	simm.s32 $0x80  }
0x4: {  	s12 =	simm.s32 $0x100;
	s13 =	simm.s32 $0x880;
	s14 =	simm.s32 $0x900  }
0x5: {  	s15 =	simm.s32 $0x180;
	s16 =	simm.s32 $0x200;
	s17 =	simm.s32 $0x280  }
0x6: {  	s18 =	simm.s32 $0x980;
	s19 =	simm.s32 $0xA00;
	[smem:$0x7FF] =	sst s3  }
0x7: {  	s20 =	simm.s32 $0xA80;
	_ =	strace $0x8000004A;
	[dreg:$0x5] =	wrdreg s11  }
0x8: {  	s21 =	simm.s32 $0x300;
	s28 =	simm.s32 $0xD80;
	[dreg:$0x6] =	wrdreg s12  }
0x9: {  	s29 =	simm.s32 $0x600;
	s30 =	simm.s32 $0x680;
	[dreg:$0x7] =	wrdreg s13  }
0xa: {  	s31 =	simm.s32 $0x700;
	s5 =	smul.u32 $0x3000, s9;
	[dreg:$0x8] =	wrdreg s14  }
0xb: {  	s0 =	sand.u32 $0x1, s0;
	s22 =	smul.u32 $0x13C00, s9;
	[dreg:$0x9] =	wrdreg s15  }
0xc: {  	s23 =	smul.u32 $0x4F000, s9;
	s10 =	sshll.u32 s9, $0x6;
	[dreg:$0xa] =	wrdreg s16  }
0xd: {  	s9 =	simm.s32 $0x0;
	s4 =	smul.u32 $0x30000, s0;
	[dreg:$0xb] =	wrdreg s17  }
0xe: {  	s7 =	smul.u32 $0x13C000, s0;
	s0 =	ssub.s32 $0x2, s0;
	[dreg:$0xc] =	wrdreg s18  }
0xf: {  	s11 =	simm.s32 $0x800;
	s12 =	simm.s32 $0x70;
	[dreg:$0xd] =	wrdreg s19  }
0x10: {  	s13 =	simm.s32 $0x1000;
	s14 =	simm.s32 $0x4800;
	[dreg:$0xe] =	wrdreg s20  }
0x11: {  	s15 =	simm.s32 $0x8000;
	s16 =	simm.s32 $0x1;
	[dreg:$0xf] =	wrdreg s21  }
0x12: {  	s17 =	simm.s32 $0x2;
	s18 =	simm.s32 $0x3;
	s19 =	simm.s32 $0x4  }
0x13: {  	s20 =	simm.s32 $0x5;
	s21 =	simm.s32 $0x6;
	s8 =	sshrl.u32 s22, $0x3  }
0x14: {  	s24 =	sshrl.u32 s0, $0x1;
	s4 =	sadd.s32 s5, s4;
	s5 =	sadd.s32 s22, s7  }
0x15: {  	s8 =	sadd.s32 s8, s1;
	s7 =	sshrl.u32 s23, $0x2;
	s0 =	ssub.s32 s0, s24  }
0x16: {  	s22 =	simm.s32 $0x380;
	s23 =	simm.s32 $0x400;
	s24 =	simm.s32 $0xB00  }
0x17: {  	s6 =	sshrl.u32 s4, $0x3;
	s4 =	sadd.s32 $0x1AE00, s1;
	[dreg:$0x10] =	wrdreg s22  }
0x18: {  	s5 =	sshrl.u32 s5, $0x3;
	s25 =	sadd.s32 s7, s2;
	[dreg:$0x11] =	wrdreg s23  }
0x19: {  	s8 =	sadd.s32 $0x42600, s8;
	s7 =	sor.u32 $0x1C07, s10;
	[dreg:$0x12] =	wrdreg s24  }
0x1a: {  	s0 =	smax.u32 s0, $0x1;
	s10 =	simm.s32 $0x7;
	[dreg:$0x15] =	wrdreg s8  }
0x1b: {  	s22 =	simm.s32 $0x480;
	s23 =	simm.s32 $0x500;
	[dreg:$0x18] =	wrdreg s0  }
0x1c: {  	s8 =	sshrl.u32 s25, $0x3;
	s25 =	simm.s32 $0xB80;
	[dreg:$0x16] =	wrdreg s7  }
0x1d: {  	s24 =	simm.s32 $0x580;
	s6 =	sadd.s32 s6, s1;
	[dreg:$0x13] =	wrdreg s25  }
0x1e: {  	s1 =	sadd.s32 s5, s1;
	s26 =	sadd.s32 $0x2E00, s6;
	[dreg:$0x19] =	wrdreg s8  }
0x1f: {  	s0 =	simm.s32 $0xE80;
	s6 =	sadd.s32 $0xEE00, s6;
	[dreg:$0x3] =	wrdreg s26  }
0x20: {  	s5 =	simm.s32 $0xF00;
	s1 =	sadd.s32 $0x69E00, s1;
	[dreg:$0x4] =	wrdreg s6  }
0x21: {  	s25 =	simm.s32 $0xC80;
	[dreg:$0x17] =	wrdreg s1;
	s26 =	simm.s32 $0xC00  }
0x22: {  	s1 =	simm.s32 $0xE00;
	[dreg:$0x14] =	wrdreg s26;
	s26 =	simm.s32 $0xD00  }
.LBB2_1:
0x23: {  	[dreg:$0x1a] =	wrdreg s9  }
0x24: {  	s6 =	rddreg [dreg:$0x15]  }
0x25: {  	[spmem:s8], [sflag:s7] =	dma.local [hbm:s6], $0x2780  }
0x26: {  	_ =	swait.ge [sflag:s10], $0x2780  }
0x27: {  	[sflag:s10] =	ssyncset.done $0x0  }
0x28: {  	[sflag:s10] =	ssyncadd.s32 $0xFFFFD880  }
0x29: {  	[bflag:$0x0] =	sbarrier.arrive $0xFFFF  }
0x2a: {  	s7 =	rddreg [dreg:$0x4]  }
0x2b: {  	s6 =	sadd.s32 $0x0, s7  }
0x2c: {  	[tilespmem:s3], [sflag:$0x7] =	stream.linear.gather [hbm4b:s6+s3], $0x780, $0x38;
	[tilespmem:$0x1F400] =	vst v63  }
0x2d: {  	_ =	swait.ge [sflag:s10], $0x780  }
0x2e: {  	s8 =	rddreg [dreg:$0x3];
	[sflag:s10] =	ssyncset.done $0x0  }
0x2f: {  	[sflag:s10] =	ssyncadd.s32 $0xFFFFF880;
	s6 =	sadd.s32 $0x0, s8  }
0x30: {  	[tilespmem:s11], [sflag:$0x7] =	stream.linear.gather [hbm4b:s6+s3], $0x780, $0x38;
	[tilespmem:$0x1F400] =	vst v63  }
0x31: {  	_ =	swait.ge [sflag:s10], $0x780  }
0x32: {  	[sflag:s10] =	ssyncset.done $0x0  }
0x33: {  	[sflag:s10] =	ssyncadd.s32 $0xFFFFF880  }
0x34: {  	[tilespmem:s13], [sflag:$0x1] =	stream.indirect.gather [hbm4b:s4+s12], $0x80, s3, s12, $0xb8;
	[tilespmem:$0x1F400] =	vst v63  }
0x35: {  	s9 =	rddreg [dreg:$0x5]  }
0x36: {  	[tilespmem:s14], [sflag:$0x2] =	stream.indirect.gather [hbm4b:s4+s12], $0x80, s9, s12, $0xb8;
	[tilespmem:$0x1F400] =	vst v63  }
0x37: {  	s7 =	rddreg [dreg:$0x6]  }
0x38: {  	[tilespmem:s15], [sflag:$0x3] =	stream.indirect.gather [hbm4b:s4+s12], $0x80, s7, s12, $0xb8;
	[tilespmem:$0x1F400] =	vst v63  }
0x39: {  	_ =	swait.ge [sflag:s16], $0x3800  }
0x3a: {  	[sflag:s16] =	ssyncset.done $0x0  }
0x3b: {  	[sflag:s16] =	ssyncadd.s32 $0xFFFFC800  }
0x3c: {  	[spmem:s2] =	stream.indirect.scatter.add.f32 [tilespmem:s13], [sflag:$0x4], $0x80, s11, s12, $0xb8;
	[tilespmem:$0x1F400] =	vst v63  }
0x3d: {  	_ =	swait.ge [sflag:s17], $0x3800  }
0x3e: {  	[sflag:s17] =	ssyncset.done $0x0  }
0x3f: {  	s9 =	rddreg [dreg:$0x7];
	[sflag:s17] =	ssyncadd.s32 $0xFFFFC800  }
0x40: {  	[spmem:s2] =	stream.indirect.scatter.add.f32 [tilespmem:s14], [sflag:$0x5], $0x80, s9, s12, $0xb8;
	[tilespmem:$0x1F400] =	vst v63  }
0x41: {  	_ =	swait.ge [sflag:s18], $0x3800  }
0x42: {  	[sflag:s18] =	ssyncset.done $0x0  }
0x43: {  	s7 =	rddreg [dreg:$0x8];
	[sflag:s18] =	ssyncadd.s32 $0xFFFFC800  }
0x44: {  	[spmem:s2] =	stream.indirect.scatter.add.f32 [tilespmem:s15], [sflag:$0x6], $0x80, s7, s12, $0xb8;
	[tilespmem:$0x1F400] =	vst v63  }
0x45: {  	_ =	swait.ge [sflag:s19], $0x3800  }
0x46: {  	[sflag:s19] =	ssyncset.done $0x0  }
0x47: {  	[sflag:s19] =	ssyncadd.s32 $0xFFFFC800  }
0x48: {  	_ =	swait.ge [sflag:s20], $0x3800  }
0x49: {  	[sflag:s20] =	ssyncset.done $0x0  }
0x4a: {  	[sflag:s20] =	ssyncadd.s32 $0xFFFFC800  }
0x4b: {  	_ =	swait.ge [sflag:s21], $0x3800  }
0x4c: {  	[sflag:s21] =	ssyncset.done $0x0  }
0x4d: {  	s8 =	rddreg [dreg:$0x9];
	[sflag:s21] =	ssyncadd.s32 $0xFFFFC800  }
0x4e: {  	[tilespmem:s13], [sflag:$0x1] =	stream.indirect.gather [hbm4b:s4+s12], $0x80, s8, s12, $0xb8;
	[tilespmem:$0x1F400] =	vst v63  }
0x4f: {  	s9 =	rddreg [dreg:$0xa]  }
0x50: {  	[tilespmem:s14], [sflag:$0x2] =	stream.indirect.gather [hbm4b:s4+s12], $0x80, s9, s12, $0xb8;
	[tilespmem:$0x1F400] =	vst v63  }
0x51: {  	s7 =	rddreg [dreg:$0xb]  }
0x52: {  	[tilespmem:s15], [sflag:$0x3] =	stream.indirect.gather [hbm4b:s4+s12], $0x80, s7, s12, $0xb8;
	[tilespmem:$0x1F400] =	vst v63  }
0x53: {  	_ =	swait.ge [sflag:s16], $0x3800  }
0x54: {  	[sflag:s16] =	ssyncset.done $0x0  }
0x55: {  	s9 =	rddreg [dreg:$0xc];
	[sflag:s16] =	ssyncadd.s32 $0xFFFFC800  }
0x56: {  	[spmem:s2] =	stream.indirect.scatter.add.f32 [tilespmem:s13], [sflag:$0x4], $0x80, s9, s12, $0xb8;
	[tilespmem:$0x1F400] =	vst v63  }
0x57: {  	_ =	swait.ge [sflag:s17], $0x3800  }
0x58: {  	[sflag:s17] =	ssyncset.done $0x0  }
0x59: {  	s7 =	rddreg [dreg:$0xd];
	[sflag:s17] =	ssyncadd.s32 $0xFFFFC800  }
0x5a: {  	[spmem:s2] =	stream.indirect.scatter.add.f32 [tilespmem:s14], [sflag:$0x5], $0x80, s7, s12, $0xb8;
	[tilespmem:$0x1F400] =	vst v63  }
0x5b: {  	_ =	swait.ge [sflag:s18], $0x3800  }
0x5c: {  	[sflag:s18] =	ssyncset.done $0x0  }
0x5d: {  	s8 =	rddreg [dreg:$0xe];
	[sflag:s18] =	ssyncadd.s32 $0xFFFFC800  }
0x5e: {  	[spmem:s2] =	stream.indirect.scatter.add.f32 [tilespmem:s15], [sflag:$0x6], $0x80, s8, s12, $0xb8;
	[tilespmem:$0x1F400] =	vst v63  }
0x5f: {  	_ =	swait.ge [sflag:s19], $0x3800  }
0x60: {  	[sflag:s19] =	ssyncset.done $0x0  }
0x61: {  	[sflag:s19] =	ssyncadd.s32 $0xFFFFC800  }
0x62: {  	_ =	swait.ge [sflag:s20], $0x3800  }
0x63: {  	[sflag:s20] =	ssyncset.done $0x0  }
0x64: {  	[sflag:s20] =	ssyncadd.s32 $0xFFFFC800  }
0x65: {  	_ =	swait.ge [sflag:s21], $0x3800  }
0x66: {  	[sflag:s21] =	ssyncset.done $0x0  }
0x67: {  	s9 =	rddreg [dreg:$0xf];
	[sflag:s21] =	ssyncadd.s32 $0xFFFFC800  }
0x68: {  	[tilespmem:s13], [sflag:$0x1] =	stream.indirect.gather [hbm4b:s4+s12], $0x80, s9, s12, $0xb8;
	[tilespmem:$0x1F400] =	vst v63  }
0x69: {  	s7 =	rddreg [dreg:$0x10]  }
0x6a: {  	[tilespmem:s14], [sflag:$0x2] =	stream.indirect.gather [hbm4b:s4+s12], $0x80, s7, s12, $0xb8;
	[tilespmem:$0x1F400] =	vst v63  }
0x6b: {  	s9 =	rddreg [dreg:$0x11]  }
0x6c: {  	[tilespmem:s15], [sflag:$0x3] =	stream.indirect.gather [hbm4b:s4+s12], $0x80, s9, s12, $0xb8;
	[tilespmem:$0x1F400] =	vst v63  }
0x6d: {  	_ =	swait.ge [sflag:s16], $0x3800  }
0x6e: {  	[sflag:s16] =	ssyncset.done $0x0  }
0x6f: {  	s7 =	rddreg [dreg:$0x12];
	[sflag:s16] =	ssyncadd.s32 $0xFFFFC800  }
0x70: {  	[spmem:s2] =	stream.indirect.scatter.add.f32 [tilespmem:s13], [sflag:$0x4], $0x80, s7, s12, $0xb8;
	[tilespmem:$0x1F400] =	vst v63  }
0x71: {  	_ =	swait.ge [sflag:s17], $0x3800  }
0x72: {  	[sflag:s17] =	ssyncset.done $0x0  }
0x73: {  	s8 =	rddreg [dreg:$0x13];
	[sflag:s17] =	ssyncadd.s32 $0xFFFFC800  }
0x74: {  	[spmem:s2] =	stream.indirect.scatter.add.f32 [tilespmem:s14], [sflag:$0x5], $0x80, s8, s12, $0xb8;
	[tilespmem:$0x1F400] =	vst v63  }
0x75: {  	_ =	swait.ge [sflag:s18], $0x3800  }
0x76: {  	[sflag:s18] =	ssyncset.done $0x0  }
0x77: {  	s9 =	rddreg [dreg:$0x14];
	[sflag:s18] =	ssyncadd.s32 $0xFFFFC800  }
0x78: {  	[spmem:s2] =	stream.indirect.scatter.add.f32 [tilespmem:s15], [sflag:$0x6], $0x80, s9, s12, $0xb8;
	[tilespmem:$0x1F400] =	vst v63  }
0x79: {  	_ =	swait.ge [sflag:s19], $0x3800  }
0x7a: {  	[sflag:s19] =	ssyncset.done $0x0  }
0x7b: {  	[sflag:s19] =	ssyncadd.s32 $0xFFFFC800  }
0x7c: {  	_ =	swait.ge [sflag:s20], $0x3800  }
0x7d: {  	[sflag:s20] =	ssyncset.done $0x0  }
0x7e: {  	[sflag:s20] =	ssyncadd.s32 $0xFFFFC800  }
0x7f: {  	_ =	swait.ge [sflag:s21], $0x3800  }
0x80: {  	[sflag:s21] =	ssyncset.done $0x0  }
0x81: {  	[sflag:s21] =	ssyncadd.s32 $0xFFFFC800  }
0x82: {  	[tilespmem:s13], [sflag:$0x1] =	stream.indirect.gather [hbm4b:s4+s12], $0x80, s22, s12, $0xb8;
	[tilespmem:$0x1F400] =	vst v63  }
0x83: {  	_ = 	snop  }
0x84: {  	[tilespmem:s14], [sflag:$0x2] =	stream.indirect.gather [hbm4b:s4+s12], $0x80, s23, s12, $0xb8;
	[tilespmem:$0x1F400] =	vst v63  }
0x85: {  	_ = 	snop  }
0x86: {  	[tilespmem:s15], [sflag:$0x3] =	stream.indirect.gather [hbm4b:s4+s12], $0x80, s24, s12, $0xb8;
	[tilespmem:$0x1F400] =	vst v63  }
0x87: {  	_ =	swait.ge [sflag:s16], $0x3800  }
0x88: {  	[sflag:s16] =	ssyncset.done $0x0  }
0x89: {  	[sflag:s16] =	ssyncadd.s32 $0xFFFFC800  }
0x8a: {  	[spmem:s2] =	stream.indirect.scatter.add.f32 [tilespmem:s13], [sflag:$0x4], $0x80, s25, s12, $0xb8;
	[tilespmem:$0x1F400] =	vst v63  }
0x8b: {  	_ =	swait.ge [sflag:s17], $0x3800  }
0x8c: {  	[sflag:s17] =	ssyncset.done $0x0  }
0x8d: {  	[sflag:s17] =	ssyncadd.s32 $0xFFFFC800  }
0x8e: {  	[spmem:s2] =	stream.indirect.scatter.add.f32 [tilespmem:s14], [sflag:$0x5], $0x80, s26, s12, $0xb8;
	[tilespmem:$0x1F400] =	vst v63  }
0x8f: {  	_ =	swait.ge [sflag:s18], $0x3800  }
0x90: {  	[sflag:s18] =	ssyncset.done $0x0  }
0x91: {  	[sflag:s18] =	ssyncadd.s32 $0xFFFFC800  }
0x92: {  	[spmem:s2] =	stream.indirect.scatter.add.f32 [tilespmem:s15], [sflag:$0x6], $0x80, s28, s12, $0xb8;
	[tilespmem:$0x1F400] =	vst v63  }
0x93: {  	_ =	swait.ge [sflag:s19], $0x3800  }
0x94: {  	[sflag:s19] =	ssyncset.done $0x0  }
0x95: {  	[sflag:s19] =	ssyncadd.s32 $0xFFFFC800  }
0x96: {  	_ =	swait.ge [sflag:s20], $0x3800  }
0x97: {  	[sflag:s20] =	ssyncset.done $0x0  }
0x98: {  	[sflag:s20] =	ssyncadd.s32 $0xFFFFC800  }
0x99: {  	_ =	swait.ge [sflag:s21], $0x3800  }
0x9a: {  	[sflag:s21] =	ssyncset.done $0x0  }
0x9b: {  	[sflag:s21] =	ssyncadd.s32 $0xFFFFC800  }
0x9c: {  	[tilespmem:s13], [sflag:$0x1] =	stream.indirect.gather [hbm4b:s4+s12], $0x80, s29, s12, $0xb8;
	[tilespmem:$0x1F400] =	vst v63  }
0x9d: {  	_ = 	snop  }
0x9e: {  	[tilespmem:s14], [sflag:$0x2] =	stream.indirect.gather [hbm4b:s4+s12], $0x80, s30, s12, $0xb8;
	[tilespmem:$0x1F400] =	vst v63  }
0x9f: {  	_ = 	snop  }
0xa0: {  	[tilespmem:s15], [sflag:$0x3] =	stream.indirect.gather [hbm4b:s4+s12], $0x80, s31, s12, $0xb8;
	[tilespmem:$0x1F400] =	vst v63  }
0xa1: {  	_ =	swait.ge [sflag:s16], $0x3800  }
0xa2: {  	[sflag:s16] =	ssyncset.done $0x0  }
0xa3: {  	[sflag:s16] =	ssyncadd.s32 $0xFFFFC800  }
0xa4: {  	[spmem:s2] =	stream.indirect.scatter.add.f32 [tilespmem:s13], [sflag:$0x4], $0x80, s1, s12, $0xb8;
	[tilespmem:$0x1F400] =	vst v63  }
0xa5: {  	_ =	swait.ge [sflag:s17], $0x3800  }
0xa6: {  	[sflag:s17] =	ssyncset.done $0x0  }
0xa7: {  	[sflag:s17] =	ssyncadd.s32 $0xFFFFC800  }
0xa8: {  	[spmem:s2] =	stream.indirect.scatter.add.f32 [tilespmem:s14], [sflag:$0x5], $0x80, s0, s12, $0xb8;
	[tilespmem:$0x1F400] =	vst v63  }
0xa9: {  	_ =	swait.ge [sflag:s18], $0x3800  }
0xaa: {  	[sflag:s18] =	ssyncset.done $0x0  }
0xab: {  	[sflag:s18] =	ssyncadd.s32 $0xFFFFC800  }
0xac: {  	[spmem:s2] =	stream.indirect.scatter.add.f32 [tilespmem:s15], [sflag:$0x6], $0x80, s5, s12, $0xb8;
	[tilespmem:$0x1F400] =	vst v63  }
0xad: {  	_ =	swait.ge [sflag:s19], $0x3800  }
0xae: {  	[sflag:s19] =	ssyncset.done $0x0  }
0xaf: {  	[sflag:s19] =	ssyncadd.s32 $0xFFFFC800  }
0xb0: {  	_ =	swait.ge [sflag:s20], $0x3800  }
0xb1: {  	[sflag:s20] =	ssyncset.done $0x0  }
0xb2: {  	[sflag:s20] =	ssyncadd.s32 $0xFFFFC800  }
0xb3: {  	s6 =	simm.s32 $0x200;
	_ =	swait.ge [sflag:s21], $0x3800  }
0xb4: {  	s8 =	simm.s32 $0x100;
	s9 =	rddreg [dreg:$0x4];
	[sflag:s21] =	ssyncset.done $0x0  }
.LBB2_2:
0xb5: {  	[sflag:s21] =	ssyncadd.s32 $0xFFFFC800;
	s9 =	sadd.s32 s8, s9  }
0xb6: {  	[tilespmem:s3], [sflag:$0x7] =	stream.linear.gather [hbm4b:s9+s3], $0x780, $0x38;
	[tilespmem:$0x1F400] =	vst v63  }
0xb7: {  	_ =	swait.ge [sflag:s10], $0x780  }
0xb8: {  	s9 =	rddreg [dreg:$0x3];
	[sflag:s10] =	ssyncset.done $0x0  }
0xb9: {  	[sflag:s10] =	ssyncadd.s32 $0xFFFFF880;
	s9 =	sadd.s32 s8, s9  }
0xba: {  	[tilespmem:s11], [sflag:$0x7] =	stream.linear.gather [hbm4b:s9+s3], $0x780, $0x38;
	[tilespmem:$0x1F400] =	vst v63  }
0xbb: {  	_ =	swait.ge [sflag:s10], $0x780  }
0xbc: {  	[sflag:s10] =	ssyncset.done $0x0  }
0xbd: {  	s7 =	smov.u32 s6;
	[sflag:s10] =	ssyncadd.s32 $0xFFFFF880  }
0xbe: {  	[tilespmem:s13], [sflag:$0x1] =	stream.indirect.gather [hbm4b:s4+s12], $0x80, s3, s12, $0xb8;
	[tilespmem:$0x1F400] =	vst v63  }
0xbf: {  	s8 =	smov.u32 s7;
	s7 =	rddreg [dreg:$0x5]  }
0xc0: {  	[tilespmem:s14], [sflag:$0x2] =	stream.indirect.gather [hbm4b:s4+s12], $0x80, s7, s12, $0xb8;
	[tilespmem:$0x1F400] =	vst v63  }
0xc1: {  	s9 =	rddreg [dreg:$0x6]  }
0xc2: {  	[tilespmem:s15], [sflag:$0x3] =	stream.indirect.gather [hbm4b:s4+s12], $0x80, s9, s12, $0xb8;
	[tilespmem:$0x1F400] =	vst v63  }
0xc3: {  	_ =	swait.ge [sflag:s16], $0x3800  }
0xc4: {  	[sflag:s16] =	ssyncset.done $0x0  }
0xc5: {  	[sflag:s16] =	ssyncadd.s32 $0xFFFFC800  }
0xc6: {  	[spmem:s2] =	stream.indirect.scatter.add.f32 [tilespmem:s13], [sflag:$0x4], $0x80, s11, s12, $0xb8;
	[tilespmem:$0x1F400] =	vst v63  }
0xc7: {  	_ =	swait.ge [sflag:s17], $0x3800  }
0xc8: {  	[sflag:s17] =	ssyncset.done $0x0  }
0xc9: {  	s9 =	rddreg [dreg:$0x7];
	[sflag:s17] =	ssyncadd.s32 $0xFFFFC800  }
0xca: {  	[spmem:s2] =	stream.indirect.scatter.add.f32 [tilespmem:s14], [sflag:$0x5], $0x80, s9, s12, $0xb8;
	[tilespmem:$0x1F400] =	vst v63  }
0xcb: {  	_ =	swait.ge [sflag:s18], $0x3800  }
0xcc: {  	[sflag:s18] =	ssyncset.done $0x0  }
0xcd: {  	s9 =	rddreg [dreg:$0x8];
	[sflag:s18] =	ssyncadd.s32 $0xFFFFC800  }
0xce: {  	[spmem:s2] =	stream.indirect.scatter.add.f32 [tilespmem:s15], [sflag:$0x6], $0x80, s9, s12, $0xb8;
	[tilespmem:$0x1F400] =	vst v63  }
0xcf: {  	_ =	swait.ge [sflag:s19], $0x3800  }
0xd0: {  	[sflag:s19] =	ssyncset.done $0x0  }
0xd1: {  	[sflag:s19] =	ssyncadd.s32 $0xFFFFC800  }
0xd2: {  	_ =	swait.ge [sflag:s20], $0x3800  }
0xd3: {  	[sflag:s20] =	ssyncset.done $0x0  }
0xd4: {  	[sflag:s20] =	ssyncadd.s32 $0xFFFFC800  }
0xd5: {  	_ =	swait.ge [sflag:s21], $0x3800  }
0xd6: {  	[sflag:s21] =	ssyncset.done $0x0  }
0xd7: {  	s7 =	rddreg [dreg:$0x9];
	[sflag:s21] =	ssyncadd.s32 $0xFFFFC800  }
0xd8: {  	[tilespmem:s13], [sflag:$0x1] =	stream.indirect.gather [hbm4b:s4+s12], $0x80, s7, s12, $0xb8;
	[tilespmem:$0x1F400] =	vst v63  }
0xd9: {  	s9 =	rddreg [dreg:$0xa]  }
0xda: {  	[tilespmem:s14], [sflag:$0x2] =	stream.indirect.gather [hbm4b:s4+s12], $0x80, s9, s12, $0xb8;
	[tilespmem:$0x1F400] =	vst v63  }
0xdb: {  	s7 =	rddreg [dreg:$0xb]  }
0xdc: {  	[tilespmem:s15], [sflag:$0x3] =	stream.indirect.gather [hbm4b:s4+s12], $0x80, s7, s12, $0xb8;
	[tilespmem:$0x1F400] =	vst v63  }
0xdd: {  	_ =	swait.ge [sflag:s16], $0x3800  }
0xde: {  	[sflag:s16] =	ssyncset.done $0x0  }
0xdf: {  	s9 =	rddreg [dreg:$0xc];
	[sflag:s16] =	ssyncadd.s32 $0xFFFFC800  }
0xe0: {  	[spmem:s2] =	stream.indirect.scatter.add.f32 [tilespmem:s13], [sflag:$0x4], $0x80, s9, s12, $0xb8;
	[tilespmem:$0x1F400] =	vst v63  }
0xe1: {  	_ =	swait.ge [sflag:s17], $0x3800  }
0xe2: {  	[sflag:s17] =	ssyncset.done $0x0  }
0xe3: {  	s9 =	rddreg [dreg:$0xd];
	[sflag:s17] =	ssyncadd.s32 $0xFFFFC800  }
0xe4: {  	[spmem:s2] =	stream.indirect.scatter.add.f32 [tilespmem:s14], [sflag:$0x5], $0x80, s9, s12, $0xb8;
	[tilespmem:$0x1F400] =	vst v63  }
0xe5: {  	_ =	swait.ge [sflag:s18], $0x3800  }
0xe6: {  	[sflag:s18] =	ssyncset.done $0x0  }
0xe7: {  	s9 =	rddreg [dreg:$0xe];
	[sflag:s18] =	ssyncadd.s32 $0xFFFFC800  }
0xe8: {  	[spmem:s2] =	stream.indirect.scatter.add.f32 [tilespmem:s15], [sflag:$0x6], $0x80, s9, s12, $0xb8;
	[tilespmem:$0x1F400] =	vst v63  }
0xe9: {  	_ =	swait.ge [sflag:s19], $0x3800  }
0xea: {  	[sflag:s19] =	ssyncset.done $0x0  }
0xeb: {  	[sflag:s19] =	ssyncadd.s32 $0xFFFFC800  }
0xec: {  	_ =	swait.ge [sflag:s20], $0x3800  }
0xed: {  	[sflag:s20] =	ssyncset.done $0x0  }
0xee: {  	[sflag:s20] =	ssyncadd.s32 $0xFFFFC800  }
0xef: {  	_ =	swait.ge [sflag:s21], $0x3800  }
0xf0: {  	[sflag:s21] =	ssyncset.done $0x0  }
0xf1: {  	s7 =	rddreg [dreg:$0xf];
	[sflag:s21] =	ssyncadd.s32 $0xFFFFC800  }
0xf2: {  	[tilespmem:s13], [sflag:$0x1] =	stream.indirect.gather [hbm4b:s4+s12], $0x80, s7, s12, $0xb8;
	[tilespmem:$0x1F400] =	vst v63  }
0xf3: {  	s9 =	rddreg [dreg:$0x10]  }
0xf4: {  	[tilespmem:s14], [sflag:$0x2] =	stream.indirect.gather [hbm4b:s4+s12], $0x80, s9, s12, $0xb8;
	[tilespmem:$0x1F400] =	vst v63  }
0xf5: {  	s7 =	rddreg [dreg:$0x11]  }
0xf6: {  	[tilespmem:s15], [sflag:$0x3] =	stream.indirect.gather [hbm4b:s4+s12], $0x80, s7, s12, $0xb8;
	[tilespmem:$0x1F400] =	vst v63  }
0xf7: {  	_ =	swait.ge [sflag:s16], $0x3800  }
0xf8: {  	[sflag:s16] =	ssyncset.done $0x0  }
0xf9: {  	s9 =	rddreg [dreg:$0x12];
	[sflag:s16] =	ssyncadd.s32 $0xFFFFC800  }
0xfa: {  	[spmem:s2] =	stream.indirect.scatter.add.f32 [tilespmem:s13], [sflag:$0x4], $0x80, s9, s12, $0xb8;
	[tilespmem:$0x1F400] =	vst v63  }
0xfb: {  	_ =	swait.ge [sflag:s17], $0x3800  }
0xfc: {  	[sflag:s17] =	ssyncset.done $0x0  }
0xfd: {  	s9 =	rddreg [dreg:$0x13];
	[sflag:s17] =	ssyncadd.s32 $0xFFFFC800  }
0xfe: {  	[spmem:s2] =	stream.indirect.scatter.add.f32 [tilespmem:s14], [sflag:$0x5], $0x80, s9, s12, $0xb8;
	[tilespmem:$0x1F400] =	vst v63  }
0xff: {  	_ =	swait.ge [sflag:s18], $0x3800  }
0x100: {  	[sflag:s18] =	ssyncset.done $0x0  }
0x101: {  	s9 =	rddreg [dreg:$0x14];
	[sflag:s18] =	ssyncadd.s32 $0xFFFFC800  }
0x102: {  	[spmem:s2] =	stream.indirect.scatter.add.f32 [tilespmem:s15], [sflag:$0x6], $0x80, s9, s12, $0xb8;
	[tilespmem:$0x1F400] =	vst v63  }
0x103: {  	_ =	swait.ge [sflag:s19], $0x3800  }
0x104: {  	[sflag:s19] =	ssyncset.done $0x0  }
0x105: {  	[sflag:s19] =	ssyncadd.s32 $0xFFFFC800  }
0x106: {  	_ =	swait.ge [sflag:s20], $0x3800  }
0x107: {  	[sflag:s20] =	ssyncset.done $0x0  }
0x108: {  	[sflag:s20] =	ssyncadd.s32 $0xFFFFC800  }
0x109: {  	_ =	swait.ge [sflag:s21], $0x3800  }
0x10a: {  	[sflag:s21] =	ssyncset.done $0x0  }
0x10b: {  	[sflag:s21] =	ssyncadd.s32 $0xFFFFC800  }
0x10c: {  	[tilespmem:s13], [sflag:$0x1] =	stream.indirect.gather [hbm4b:s4+s12], $0x80, s22, s12, $0xb8;
	[tilespmem:$0x1F400] =	vst v63  }
0x10d: {  	_ = 	snop  }
0x10e: {  	[tilespmem:s14], [sflag:$0x2] =	stream.indirect.gather [hbm4b:s4+s12], $0x80, s23, s12, $0xb8;
	[tilespmem:$0x1F400] =	vst v63  }
0x10f: {  	_ = 	snop  }
0x110: {  	[tilespmem:s15], [sflag:$0x3] =	stream.indirect.gather [hbm4b:s4+s12], $0x80, s24, s12, $0xb8;
	[tilespmem:$0x1F400] =	vst v63  }
0x111: {  	_ =	swait.ge [sflag:s16], $0x3800  }
0x112: {  	[sflag:s16] =	ssyncset.done $0x0  }
0x113: {  	[sflag:s16] =	ssyncadd.s32 $0xFFFFC800  }
0x114: {  	[spmem:s2] =	stream.indirect.scatter.add.f32 [tilespmem:s13], [sflag:$0x4], $0x80, s25, s12, $0xb8;
	[tilespmem:$0x1F400] =	vst v63  }
0x115: {  	_ =	swait.ge [sflag:s17], $0x3800  }
0x116: {  	[sflag:s17] =	ssyncset.done $0x0  }
0x117: {  	[sflag:s17] =	ssyncadd.s32 $0xFFFFC800  }
0x118: {  	[spmem:s2] =	stream.indirect.scatter.add.f32 [tilespmem:s14], [sflag:$0x5], $0x80, s26, s12, $0xb8;
	[tilespmem:$0x1F400] =	vst v63  }
0x119: {  	_ =	swait.ge [sflag:s18], $0x3800  }
0x11a: {  	[sflag:s18] =	ssyncset.done $0x0  }
0x11b: {  	[sflag:s18] =	ssyncadd.s32 $0xFFFFC800  }
0x11c: {  	[spmem:s2] =	stream.indirect.scatter.add.f32 [tilespmem:s15], [sflag:$0x6], $0x80, s28, s12, $0xb8;
	[tilespmem:$0x1F400] =	vst v63  }
0x11d: {  	_ =	swait.ge [sflag:s19], $0x3800  }
0x11e: {  	[sflag:s19] =	ssyncset.done $0x0  }
0x11f: {  	[sflag:s19] =	ssyncadd.s32 $0xFFFFC800  }
0x120: {  	_ =	swait.ge [sflag:s20], $0x3800  }
0x121: {  	[sflag:s20] =	ssyncset.done $0x0  }
0x122: {  	[sflag:s20] =	ssyncadd.s32 $0xFFFFC800  }
0x123: {  	_ =	swait.ge [sflag:s21], $0x3800  }
0x124: {  	[sflag:s21] =	ssyncset.done $0x0  }
0x125: {  	[sflag:s21] =	ssyncadd.s32 $0xFFFFC800  }
0x126: {  	[tilespmem:s13], [sflag:$0x1] =	stream.indirect.gather [hbm4b:s4+s12], $0x80, s29, s12, $0xb8;
	[tilespmem:$0x1F400] =	vst v63  }
0x127: {  	_ = 	snop  }
0x128: {  	[tilespmem:s14], [sflag:$0x2] =	stream.indirect.gather [hbm4b:s4+s12], $0x80, s30, s12, $0xb8;
	[tilespmem:$0x1F400] =	vst v63  }
0x129: {  	_ = 	snop  }
0x12a: {  	[tilespmem:s15], [sflag:$0x3] =	stream.indirect.gather [hbm4b:s4+s12], $0x80, s31, s12, $0xb8;
	[tilespmem:$0x1F400] =	vst v63  }
0x12b: {  	_ =	swait.ge [sflag:s16], $0x3800  }
0x12c: {  	[sflag:s16] =	ssyncset.done $0x0  }
0x12d: {  	[sflag:s16] =	ssyncadd.s32 $0xFFFFC800  }
0x12e: {  	[spmem:s2] =	stream.indirect.scatter.add.f32 [tilespmem:s13], [sflag:$0x4], $0x80, s1, s12, $0xb8;
	[tilespmem:$0x1F400] =	vst v63  }
0x12f: {  	_ =	swait.ge [sflag:s17], $0x3800  }
0x130: {  	[sflag:s17] =	ssyncset.done $0x0  }
0x131: {  	[sflag:s17] =	ssyncadd.s32 $0xFFFFC800  }
0x132: {  	[spmem:s2] =	stream.indirect.scatter.add.f32 [tilespmem:s14], [sflag:$0x5], $0x80, s0, s12, $0xb8;
	[tilespmem:$0x1F400] =	vst v63  }
0x133: {  	_ =	swait.ge [sflag:s18], $0x3800  }
0x134: {  	[sflag:s18] =	ssyncset.done $0x0  }
0x135: {  	[sflag:s18] =	ssyncadd.s32 $0xFFFFC800  }
0x136: {  	[spmem:s2] =	stream.indirect.scatter.add.f32 [tilespmem:s15], [sflag:$0x6], $0x80, s5, s12, $0xb8;
	[tilespmem:$0x1F400] =	vst v63  }
0x137: {  	_ =	swait.ge [sflag:s19], $0x3800  }
0x138: {  	[sflag:s19] =	ssyncset.done $0x0  }
0x139: {  	p0 =	sne.s32 s6, $0x500;
	[sflag:s19] =	ssyncadd.s32 $0xFFFFC800  }
.Ltmp0:
0x13a: {  	_ =	swait.ge [sflag:s20], $0x3800;
	(pc) =	sbr.rel @p0 .LBB2_2-.Ltmp0, $4  }
0x13b: {  	[sflag:s20] =	ssyncset.done $0x0  }
0x13c: {  	[sflag:s20] =	ssyncadd.s32 $0xFFFFC800  }
0x13d: {  	_ =	swait.ge [sflag:s21], $0x3800  }
0x13e: {  	s6 =	sadd.s32 $0x100, s6;
	s9 =	rddreg [dreg:$0x4];
	[sflag:s21] =	ssyncset.done $0x0  }
0x13f: {  	[sflag:s21] =	ssyncadd.s32 $0xFFFFC800;
	s6 =	sadd.s32 s8, s9  }
0x140: {  	[tilespmem:s3], [sflag:$0x7] =	stream.linear.gather [hbm4b:s6+s3], $0x780, $0x38;
	[tilespmem:$0x1F400] =	vst v63  }
0x141: {  	_ =	swait.ge [sflag:s10], $0x780  }
0x142: {  	s7 =	rddreg [dreg:$0x3];
	[sflag:s10] =	ssyncset.done $0x0  }
0x143: {  	[sflag:s10] =	ssyncadd.s32 $0xFFFFF880;
	s6 =	sadd.s32 s8, s7  }
0x144: {  	[tilespmem:s11], [sflag:$0x7] =	stream.linear.gather [hbm4b:s6+s3], $0x780, $0x38;
	[tilespmem:$0x1F400] =	vst v63  }
0x145: {  	_ =	swait.ge [sflag:s10], $0x780  }
0x146: {  	[sflag:s10] =	ssyncset.done $0x0  }
0x147: {  	[sflag:s10] =	ssyncadd.s32 $0xFFFFF880  }
0x148: {  	[tilespmem:s13], [sflag:$0x1] =	stream.indirect.gather [hbm4b:s4+s12], $0x80, s3, s12, $0xb8;
	[tilespmem:$0x1F400] =	vst v63  }
0x149: {  	s9 =	rddreg [dreg:$0x5]  }
0x14a: {  	[tilespmem:s14], [sflag:$0x2] =	stream.indirect.gather [hbm4b:s4+s12], $0x80, s9, s12, $0xb8;
	[tilespmem:$0x1F400] =	vst v63  }
0x14b: {  	s7 =	rddreg [dreg:$0x6]  }
0x14c: {  	[tilespmem:s15], [sflag:$0x3] =	stream.indirect.gather [hbm4b:s4+s12], $0x80, s7, s12, $0xb8;
	[tilespmem:$0x1F400] =	vst v63  }
0x14d: {  	_ =	swait.ge [sflag:s16], $0x3800  }
0x14e: {  	[sflag:s16] =	ssyncset.done $0x0  }
0x14f: {  	[sflag:s16] =	ssyncadd.s32 $0xFFFFC800  }
0x150: {  	[spmem:s2] =	stream.indirect.scatter.add.f32 [tilespmem:s13], [sflag:$0x4], $0x80, s11, s12, $0xb8;
	[tilespmem:$0x1F400] =	vst v63  }
0x151: {  	_ =	swait.ge [sflag:s17], $0x3800  }
0x152: {  	[sflag:s17] =	ssyncset.done $0x0  }
0x153: {  	s8 =	rddreg [dreg:$0x7];
	[sflag:s17] =	ssyncadd.s32 $0xFFFFC800  }
0x154: {  	[spmem:s2] =	stream.indirect.scatter.add.f32 [tilespmem:s14], [sflag:$0x5], $0x80, s8, s12, $0xb8;
	[tilespmem:$0x1F400] =	vst v63  }
0x155: {  	_ =	swait.ge [sflag:s18], $0x3800  }
0x156: {  	[sflag:s18] =	ssyncset.done $0x0  }
0x157: {  	s9 =	rddreg [dreg:$0x8];
	[sflag:s18] =	ssyncadd.s32 $0xFFFFC800  }
0x158: {  	[spmem:s2] =	stream.indirect.scatter.add.f32 [tilespmem:s15], [sflag:$0x6], $0x80, s9, s12, $0xb8;
	[tilespmem:$0x1F400] =	vst v63  }
0x159: {  	_ =	swait.ge [sflag:s19], $0x3800  }
0x15a: {  	[sflag:s19] =	ssyncset.done $0x0  }
0x15b: {  	[sflag:s19] =	ssyncadd.s32 $0xFFFFC800  }
0x15c: {  	_ =	swait.ge [sflag:s20], $0x3800  }
0x15d: {  	[sflag:s20] =	ssyncset.done $0x0  }
0x15e: {  	[sflag:s20] =	ssyncadd.s32 $0xFFFFC800  }
0x15f: {  	_ =	swait.ge [sflag:s21], $0x3800  }
0x160: {  	[sflag:s21] =	ssyncset.done $0x0  }
0x161: {  	s7 =	rddreg [dreg:$0x9];
	[sflag:s21] =	ssyncadd.s32 $0xFFFFC800  }
0x162: {  	[tilespmem:s13], [sflag:$0x1] =	stream.indirect.gather [hbm4b:s4+s12], $0x80, s7, s12, $0xb8;
	[tilespmem:$0x1F400] =	vst v63  }
0x163: {  	s8 =	rddreg [dreg:$0xa]  }
0x164: {  	[tilespmem:s14], [sflag:$0x2] =	stream.indirect.gather [hbm4b:s4+s12], $0x80, s8, s12, $0xb8;
	[tilespmem:$0x1F400] =	vst v63  }
0x165: {  	s9 =	rddreg [dreg:$0xb]  }
0x166: {  	[tilespmem:s15], [sflag:$0x3] =	stream.indirect.gather [hbm4b:s4+s12], $0x80, s9, s12, $0xb8;
	[tilespmem:$0x1F400] =	vst v63  }
0x167: {  	_ =	swait.ge [sflag:s16], $0x3800  }
0x168: {  	[sflag:s16] =	ssyncset.done $0x0  }
0x169: {  	s8 =	rddreg [dreg:$0xc];
	[sflag:s16] =	ssyncadd.s32 $0xFFFFC800  }
0x16a: {  	[spmem:s2] =	stream.indirect.scatter.add.f32 [tilespmem:s13], [sflag:$0x4], $0x80, s8, s12, $0xb8;
	[tilespmem:$0x1F400] =	vst v63  }
0x16b: {  	_ =	swait.ge [sflag:s17], $0x3800  }
0x16c: {  	[sflag:s17] =	ssyncset.done $0x0  }
0x16d: {  	s9 =	rddreg [dreg:$0xd];
	[sflag:s17] =	ssyncadd.s32 $0xFFFFC800  }
0x16e: {  	[spmem:s2] =	stream.indirect.scatter.add.f32 [tilespmem:s14], [sflag:$0x5], $0x80, s9, s12, $0xb8;
	[tilespmem:$0x1F400] =	vst v63  }
0x16f: {  	_ =	swait.ge [sflag:s18], $0x3800  }
0x170: {  	[sflag:s18] =	ssyncset.done $0x0  }
0x171: {  	s7 =	rddreg [dreg:$0xe];
	[sflag:s18] =	ssyncadd.s32 $0xFFFFC800  }
0x172: {  	[spmem:s2] =	stream.indirect.scatter.add.f32 [tilespmem:s15], [sflag:$0x6], $0x80, s7, s12, $0xb8;
	[tilespmem:$0x1F400] =	vst v63  }
0x173: {  	_ =	swait.ge [sflag:s19], $0x3800  }
0x174: {  	[sflag:s19] =	ssyncset.done $0x0  }
0x175: {  	[sflag:s19] =	ssyncadd.s32 $0xFFFFC800  }
0x176: {  	_ =	swait.ge [sflag:s20], $0x3800  }
0x177: {  	[sflag:s20] =	ssyncset.done $0x0  }
0x178: {  	[sflag:s20] =	ssyncadd.s32 $0xFFFFC800  }
0x179: {  	_ =	swait.ge [sflag:s21], $0x3800  }
0x17a: {  	[sflag:s21] =	ssyncset.done $0x0  }
0x17b: {  	s8 =	rddreg [dreg:$0xf];
	[sflag:s21] =	ssyncadd.s32 $0xFFFFC800  }
0x17c: {  	[tilespmem:s13], [sflag:$0x1] =	stream.indirect.gather [hbm4b:s4+s12], $0x80, s8, s12, $0xb8;
	[tilespmem:$0x1F400] =	vst v63  }
0x17d: {  	s9 =	rddreg [dreg:$0x10]  }
0x17e: {  	[tilespmem:s14], [sflag:$0x2] =	stream.indirect.gather [hbm4b:s4+s12], $0x80, s9, s12, $0xb8;
	[tilespmem:$0x1F400] =	vst v63  }
0x17f: {  	s8 =	rddreg [dreg:$0x11]  }
0x180: {  	[tilespmem:s15], [sflag:$0x3] =	stream.indirect.gather [hbm4b:s4+s12], $0x80, s8, s12, $0xb8;
	[tilespmem:$0x1F400] =	vst v63  }
0x181: {  	_ =	swait.ge [sflag:s16], $0x3800  }
0x182: {  	[sflag:s16] =	ssyncset.done $0x0  }
0x183: {  	s9 =	rddreg [dreg:$0x12];
	[sflag:s16] =	ssyncadd.s32 $0xFFFFC800  }
0x184: {  	[spmem:s2] =	stream.indirect.scatter.add.f32 [tilespmem:s13], [sflag:$0x4], $0x80, s9, s12, $0xb8;
	[tilespmem:$0x1F400] =	vst v63  }
0x185: {  	_ =	swait.ge [sflag:s17], $0x3800  }
0x186: {  	[sflag:s17] =	ssyncset.done $0x0  }
0x187: {  	s7 =	rddreg [dreg:$0x13];
	[sflag:s17] =	ssyncadd.s32 $0xFFFFC800  }
0x188: {  	[spmem:s2] =	stream.indirect.scatter.add.f32 [tilespmem:s14], [sflag:$0x5], $0x80, s7, s12, $0xb8;
	[tilespmem:$0x1F400] =	vst v63  }
0x189: {  	_ =	swait.ge [sflag:s18], $0x3800  }
0x18a: {  	[sflag:s18] =	ssyncset.done $0x0  }
0x18b: {  	s8 =	rddreg [dreg:$0x14];
	[sflag:s18] =	ssyncadd.s32 $0xFFFFC800  }
0x18c: {  	[spmem:s2] =	stream.indirect.scatter.add.f32 [tilespmem:s15], [sflag:$0x6], $0x80, s8, s12, $0xb8;
	[tilespmem:$0x1F400] =	vst v63  }
0x18d: {  	_ =	swait.ge [sflag:s19], $0x3800  }
0x18e: {  	[sflag:s19] =	ssyncset.done $0x0  }
0x18f: {  	[sflag:s19] =	ssyncadd.s32 $0xFFFFC800  }
0x190: {  	_ =	swait.ge [sflag:s20], $0x3800  }
0x191: {  	[sflag:s20] =	ssyncset.done $0x0  }
0x192: {  	[sflag:s20] =	ssyncadd.s32 $0xFFFFC800  }
0x193: {  	_ =	swait.ge [sflag:s21], $0x3800  }
0x194: {  	[sflag:s21] =	ssyncset.done $0x0  }
0x195: {  	[sflag:s21] =	ssyncadd.s32 $0xFFFFC800  }
0x196: {  	[tilespmem:s13], [sflag:$0x1] =	stream.indirect.gather [hbm4b:s4+s12], $0x80, s22, s12, $0xb8;
	[tilespmem:$0x1F400] =	vst v63  }
0x197: {  	_ = 	snop  }
0x198: {  	[tilespmem:s14], [sflag:$0x2] =	stream.indirect.gather [hbm4b:s4+s12], $0x80, s23, s12, $0xb8;
	[tilespmem:$0x1F400] =	vst v63  }
0x199: {  	_ = 	snop  }
0x19a: {  	[tilespmem:s15], [sflag:$0x3] =	stream.indirect.gather [hbm4b:s4+s12], $0x80, s24, s12, $0xb8;
	[tilespmem:$0x1F400] =	vst v63  }
0x19b: {  	_ =	swait.ge [sflag:s16], $0x3800  }
0x19c: {  	[sflag:s16] =	ssyncset.done $0x0  }
0x19d: {  	[sflag:s16] =	ssyncadd.s32 $0xFFFFC800  }
0x19e: {  	[spmem:s2] =	stream.indirect.scatter.add.f32 [tilespmem:s13], [sflag:$0x4], $0x80, s25, s12, $0xb8;
	[tilespmem:$0x1F400] =	vst v63  }
0x19f: {  	_ =	swait.ge [sflag:s17], $0x3800  }
0x1a0: {  	[sflag:s17] =	ssyncset.done $0x0  }
0x1a1: {  	[sflag:s17] =	ssyncadd.s32 $0xFFFFC800  }
0x1a2: {  	[spmem:s2] =	stream.indirect.scatter.add.f32 [tilespmem:s14], [sflag:$0x5], $0x80, s26, s12, $0xb8;
	[tilespmem:$0x1F400] =	vst v63  }
0x1a3: {  	_ =	swait.ge [sflag:s18], $0x3800  }
0x1a4: {  	[sflag:s18] =	ssyncset.done $0x0  }
0x1a5: {  	[sflag:s18] =	ssyncadd.s32 $0xFFFFC800  }
0x1a6: {  	[spmem:s2] =	stream.indirect.scatter.add.f32 [tilespmem:s15], [sflag:$0x6], $0x80, s28, s12, $0xb8;
	[tilespmem:$0x1F400] =	vst v63  }
0x1a7: {  	_ =	swait.ge [sflag:s19], $0x3800  }
0x1a8: {  	[sflag:s19] =	ssyncset.done $0x0  }
0x1a9: {  	[sflag:s19] =	ssyncadd.s32 $0xFFFFC800  }
0x1aa: {  	_ =	swait.ge [sflag:s20], $0x3800  }
0x1ab: {  	[sflag:s20] =	ssyncset.done $0x0  }
0x1ac: {  	[sflag:s20] =	ssyncadd.s32 $0xFFFFC800  }
0x1ad: {  	_ =	swait.ge [sflag:s21], $0x3800  }
0x1ae: {  	[sflag:s21] =	ssyncset.done $0x0  }
0x1af: {  	[sflag:s21] =	ssyncadd.s32 $0xFFFFC800  }
0x1b0: {  	[tilespmem:s13], [sflag:$0x1] =	stream.indirect.gather [hbm4b:s4+s12], $0x80, s29, s12, $0xb8;
	[tilespmem:$0x1F400] =	vst v63  }
0x1b1: {  	_ = 	snop  }
0x1b2: {  	[tilespmem:s14], [sflag:$0x2] =	stream.indirect.gather [hbm4b:s4+s12], $0x80, s30, s12, $0xb8;
	[tilespmem:$0x1F400] =	vst v63  }
0x1b3: {  	_ = 	snop  }
0x1b4: {  	[tilespmem:s15], [sflag:$0x3] =	stream.indirect.gather [hbm4b:s4+s12], $0x80, s31, s12, $0xb8;
	[tilespmem:$0x1F400] =	vst v63  }
0x1b5: {  	_ =	swait.ge [sflag:s16], $0x3800  }
0x1b6: {  	[sflag:s16] =	ssyncset.done $0x0  }
0x1b7: {  	[sflag:s16] =	ssyncadd.s32 $0xFFFFC800  }
0x1b8: {  	[spmem:s2] =	stream.indirect.scatter.add.f32 [tilespmem:s13], [sflag:$0x4], $0x80, s1, s12, $0xb8;
	[tilespmem:$0x1F400] =	vst v63  }
0x1b9: {  	_ =	swait.ge [sflag:s17], $0x3800  }
0x1ba: {  	[sflag:s17] =	ssyncset.done $0x0  }
0x1bb: {  	[sflag:s17] =	ssyncadd.s32 $0xFFFFC800  }
0x1bc: {  	[spmem:s2] =	stream.indirect.scatter.add.f32 [tilespmem:s14], [sflag:$0x5], $0x80, s0, s12, $0xb8;
	[tilespmem:$0x1F400] =	vst v63  }
0x1bd: {  	_ =	swait.ge [sflag:s18], $0x3800  }
0x1be: {  	[sflag:s18] =	ssyncset.done $0x0  }
0x1bf: {  	[sflag:s18] =	ssyncadd.s32 $0xFFFFC800  }
0x1c0: {  	[spmem:s2] =	stream.indirect.scatter.add.f32 [tilespmem:s15], [sflag:$0x6], $0x80, s5, s12, $0xb8;
	[tilespmem:$0x1F400] =	vst v63  }
0x1c1: {  	_ =	swait.ge [sflag:s19], $0x3800  }
0x1c2: {  	[sflag:s19] =	ssyncset.done $0x0  }
0x1c3: {  	[sflag:s19] =	ssyncadd.s32 $0xFFFFC800  }
0x1c4: {  	_ =	swait.ge [sflag:s20], $0x3800  }
0x1c5: {  	[sflag:s20] =	ssyncset.done $0x0  }
0x1c6: {  	[sflag:s20] =	ssyncadd.s32 $0xFFFFC800  }
0x1c7: {  	_ =	swait.ge [sflag:s21], $0x3800  }
0x1c8: {  	[sflag:s21] =	ssyncset.done $0x0  }
0x1c9: {  	[sflag:s21] =	ssyncadd.s32 $0xFFFFC800  }
0x1ca: {  	[bflag:$0x0] =	sbarrier.arrive $0xFFFF  }
0x1cb: {  	s7 =	rddreg [dreg:$0x16]  }
0x1cc: {  	s9 =	rddreg [dreg:$0x17]  }
0x1cd: {  	s8 =	rddreg [dreg:$0x19]  }
0x1ce: {  	[hbm:s9], [sflag:s7] =	dma.local [spmem:s8], $0x2780  }
0x1cf: {  	_ =	swait.ge [sflag:s10], $0x2780  }
0x1d0: {  	s6 =	rddreg [dreg:$0x1a]  }
0x1d1: {  	s9 =	sadd.s32 $0x1, s6;
	s6 =	rddreg [dreg:$0x18]  }
0x1d2: {  	p0 =	sne.s32 s9, s6  }
.Ltmp1:
0x1d3: {  	_ = 	snop;
	(pc) =	sbr.rel @p0 .LBB2_1-.Ltmp1, $3  }
0x1d4: {  	_ =	sdelay $0x1  }
0x1d5: {  	[sflag:s10] =	ssyncset.done $0x0  }
0x1d6: {  	[sflag:s10] =	ssyncadd.s32 $0xFFFFD880  }
0x1d7: {  	_ =	sfence.sel $0x180000  }
0x1d8: {  	[bflag:$0x0] =	sbarrier.arrive $0xFFFF  }
0x1d9: {  	_ =	strace $0x9000004A  }
0x1da: {  	s0 =	stileid.u32;
	[bflag:$0x2] =	sbarrier.arrive $0xFFFF  }
0x1db: {  	p0 =	sne.s32 s0, $0x0;
	s0 =	rddreg [dreg:$0x2]  }
0x1dc: {  	s0 =	sadd.s32 @!p0 $0x100000, s0  }
0x1dd: {  	[sflag:s0] =	ssyncadd.tile.s32 @!p0 $0x1;
	_ =	shalt  }
.Lfunc_end2:
_tile_overlayer_lowered:
.L_overlay_start_2:
0x1de: {  	(tag) =	ssettag $0x2  }
0x1df: {  	s0 =	rddreg [dreg:$0x0];
	s2 =	stileid.u32  }
0x1e0: {  	s1 =	rddreg [dreg:$0x1];
	p0 =	sne.s32 s2, $0x0  }
0x1e1: {  	s3 =	rddreg [dreg:$0x2];
	[bflag:$0x3] =	sbarrier.arrive $0xFFFF;
	s2 =	simm.s32 @!p0 $0x1C07  }
0x1e2: {  	[timem:s3], [sflag:s2] =	dma.local @!p0 [hbm:s0], s1  }
0x1e3: {  	s0 =	simm.s32 @!p0 $0x7  }
0x1e4: {  	_ =	swait.ge @!p0 [sflag:s0], s1  }
0x1e5: {  	s1 =	ssub.s32 @!p0 $0x0, s1;
	[sflag:s0] =	ssyncset.done @!p0 $0x0  }
0x1e6: {  	[sflag:s0] =	ssyncadd.s32 @!p0 s1  }
0x1e7: {  	[bflag:$0x3] =	sbarrier.arrive $0xFFFF  }
0x1e8: {  	_ =	shalt  }

// kernel: kernel.14.cloned.1.call-start
scs
__scs_entry_jumppad:
0x0: {  	(pc) =	sbr.rel $0x88, $3  }
0x1: {  	(tag) =	ssettag $0x0;
	lr =	simm.s32 $0x1  }
0x2: {  	[smem:$0x3F9B] =	sst lr;
	_ =	strace $0xD0000000  }
0x3: {  	_ = 	snop  }
0x4: {  	_ = 	snop  }
0x5: {  	_ = 	snop  }
0x6: {  	_ = 	snop  }
0x7: {  	_ = 	snop  }
__scs_overlays_trampoline_lowered:
0x8: {  	[smem:$0x3FAA] =	sst s0  }
0x9: {  	[smem:$0x3FAB] =	sst s1  }
0xa: {  	[smem:$0x3FAC] =	sst s2  }
0xb: {  	[smem:$0x3FAD] =	sst s3  }
0xc: {  	[smem:$0x3FAE] =	sst s4  }
0xd: {  	[smem:$0x3FAF] =	sst s5  }
0xe: {  	[smem:$0x3FB0] =	sst s6  }
0xf: {  	[smem:$0x3FB1] =	sst s7  }
0x10: {  	[smem:$0x3FB2] =	sst s8  }
0x11: {  	[smem:$0x3FB3] =	sst s9;
	s0 =	simm.s32 @!p0 $0x0  }
0x12: {  	s1 =	sld [smem:$0x3F99];
	s0 =	simm.s32 @p0 $0x1  }
0x13: {  	[smem:$0x3FB4] =	sst s0;
	s0 =	simm.s32 @!p1 $0x0  }
0x14: {  	s2 =	sld [smem:$0x3F98];
	s0 =	simm.s32 @p1 $0x1  }
0x15: {  	[smem:$0x3FB5] =	sst s0;
	s0 =	simm.s32 @!p2 $0x0  }
0x16: {  	s3 =	sld [smem:$0x3FDB];
	s0 =	simm.s32 @p2 $0x1  }
0x17: {  	s4 =	simm.s32 $0x1BF5;
	[smem:$0x3FB7] =	sst s0  }
0x18: {  	s0 =	sld [smem:$0x3F9A];
	_ =	swait.ge [sflag:s4], $0x0  }
0x19: {  	s7 =	sld [smem:$0x3F9B]  }
0x1a: {  	s8 =	sadd.s32 $0xFFFFE003, lr  }
0x1b: {  	s9 =	sadd.s32 $0xFFFFFEF7, lr;
	s5 =	simm.s32 $0xFFFFFFFF;
	p2 =	slt.u32 s8, $0xFFFFF086  }
0x1c: {  	p1 =	slt.u32 s9, $0xF7A;
	s5 =	simm.s32 @!p2 $0x0  }
0x1d: {  	s5 =	simm.s32 @p1 $0x1;
	p0 =	seq.s32 s7, s2  }
0x1e: {  	s7 =	smul.u32 @!p0 $0xF7A, s2;
	p2 =	seq.s32 @!p0 s5, $0x0  }
0x1f: {  	s9 =	smul.u32 $0xF7A, s1;
	s8 =	simm.s32 @!p0 $0x1BF5;
	p2 =	por !p2, p0  }
0x20: {  	[sflag:s8] =	ssyncset.s32 @!p0 $0xFFFFF086;
	s6 =	sadd.s32 @!p0 s3, s7;
	s7 =	simm.s32 @!p0 $0x108  }
0x21: {  	s3 =	sadd.s32 s3, s9;
	s6 =	sadd.s32 @!p0 $0x88, s6;
	s7 =	simm.s32 @p2 $0x1082  }
0x22: {  	[simem:s7], [sflag:s8] =	dma.local @!p0 [hbm:s6], $0xF7A  }
0x23: {  	s9 =	sor.u32 $0xD0000000, s2;
	s6 =	simm.s32 $0x108;
	_ =	swait.ge @!p0 [sflag:s8], $0x0  }
0x24: {  	s3 =	sadd.s32 $0x88, s3;
	s6 =	simm.s32 @!p1 $0x1082;
	[sflag:s4] =	ssyncset.s32 $0xFFFFF086  }
0x25: {  	[simem:s6], [sflag:s4] =	dma.local [hbm:s3], $0xF7A  }
0x26: {  	[smem:$0x3F9B] =	sst s1;
	(tag) =	ssettag s2;
	_ =	strace s9  }
0x27: {  	s1 =	sld [smem:$0x3FAB]  }
0x28: {  	s2 =	sld [smem:$0x3FAC]  }
0x29: {  	s4 =	sld [smem:$0x3FAE]  }
0x2a: {  	p0 =	seq.s32 s5, $0x0;
	s5 =	sld [smem:$0x3FAF]  }
0x2b: {  	s6 =	sld [smem:$0x3FB0]  }
0x2c: {  	s7 =	sld [smem:$0x3FB1]  }
0x2d: {  	s3 =	simm.s32 $0x108;
	s8 =	sld [smem:$0x3FB2]  }
0x2e: {  	s3 =	simm.s32 @!p0 $0x1082;
	s9 =	sld [smem:$0x3FB3]  }
0x2f: {  	lr =	sadd.s32 s0, s3;
	s0 =	sld [smem:$0x3FAA]  }
0x30: {  	s3 =	sld [smem:$0x3FAD]  }
0x31: {  	[smem:$0x3FB6] =	sst s10  }
0x32: {  	s10 =	sld [smem:$0x3FB4];
	_ =	sdelay $0x3  }
0x33: {  	p0 =	seq.s32 s10, $0x1;
	s10 =	sld [smem:$0x3FB6];
	_ =	sdelay $0x3  }
0x34: {  	[smem:$0x3FB6] =	sst s10  }
0x35: {  	s10 =	sld [smem:$0x3FB5];
	_ =	sdelay $0x3  }
0x36: {  	p1 =	seq.s32 s10, $0x1;
	s10 =	sld [smem:$0x3FB6];
	_ =	sdelay $0x3  }
0x37: {  	[smem:$0x3FB6] =	sst s10  }
0x38: {  	s10 =	sld [smem:$0x3FB7]  }
0x39: {  	_ = 	snop;
	(pc) =	sbr.ind lr, $3  }
0x3a: {  	_ = 	snop  }
0x3b: {  	_ = 	snop  }
0x3c: {  	p2 =	seq.s32 s10, $0x1;
	s10 =	sld [smem:$0x3FB6]  }
0x3d: {  	_ =	shalt  }
0x3e: {  	_ =	shalt  }
0x3f: {  	_ =	shalt  }
0x40: {  	_ =	shalt  }
0x41: {  	_ =	shalt  }
0x42: {  	_ =	shalt  }
0x43: {  	_ =	shalt  }
0x44: {  	_ =	shalt  }
0x45: {  	_ =	shalt  }
0x46: {  	_ =	shalt  }
0x47: {  	_ =	shalt  }
0x48: {  	_ =	shalt  }
0x49: {  	_ =	shalt  }
0x4a: {  	_ =	shalt  }
0x4b: {  	_ =	shalt  }
0x4c: {  	_ =	shalt  }
0x4d: {  	_ =	shalt  }
0x4e: {  	_ =	shalt  }
0x4f: {  	_ =	shalt  }
0x50: {  	_ =	shalt  }
0x51: {  	_ =	shalt  }
0x52: {  	_ =	shalt  }
0x53: {  	_ =	shalt  }
0x54: {  	_ =	shalt  }
0x55: {  	_ =	shalt  }
0x56: {  	_ =	shalt  }
0x57: {  	_ =	shalt  }
0x58: {  	_ =	shalt  }
0x59: {  	_ =	shalt  }
0x5a: {  	_ =	shalt  }
0x5b: {  	_ =	shalt  }
0x5c: {  	_ =	shalt  }
0x5d: {  	_ =	shalt  }
0x5e: {  	_ =	shalt  }
0x5f: {  	_ =	shalt  }
0x60: {  	_ =	shalt  }
0x61: {  	_ =	shalt  }
0x62: {  	_ =	shalt  }
0x63: {  	_ =	shalt  }
0x64: {  	_ =	shalt  }
0x65: {  	_ =	shalt  }
0x66: {  	_ =	shalt  }
0x67: {  	_ =	shalt  }
0x68: {  	_ =	shalt  }
0x69: {  	_ =	shalt  }
0x6a: {  	_ =	shalt  }
0x6b: {  	_ =	shalt  }
0x6c: {  	_ =	shalt  }
0x6d: {  	_ =	shalt  }
0x6e: {  	_ =	shalt  }
0x6f: {  	_ =	shalt  }
0x70: {  	_ =	shalt  }
0x71: {  	_ =	shalt  }
0x72: {  	_ =	shalt  }
0x73: {  	_ =	shalt  }
0x74: {  	_ =	shalt  }
0x75: {  	_ =	shalt  }
0x76: {  	_ =	shalt  }
0x77: {  	_ =	shalt  }
0x78: {  	_ =	shalt  }
0x79: {  	_ =	shalt  }
0x7a: {  	_ =	shalt  }
0x7b: {  	_ =	shalt  }
0x7c: {  	_ =	shalt  }
0x7d: {  	_ =	shalt  }
0x7e: {  	_ =	shalt  }
0x7f: {  	_ =	shalt  }
0x80: {  	_ =	shalt  }
0x81: {  	_ =	shalt  }
0x82: {  	_ =	shalt  }
0x83: {  	_ =	shalt  }
0x84: {  	_ =	shalt  }
0x85: {  	_ =	shalt  }
0x86: {  	_ =	shalt  }
0x87: {  	_ =	shalt  }
.Lfunc_end0:
.L_simem_size_0:
called_computation.2_lowered:
.L_overlay_start_0:
0x88: {  	s2 =	sld [smem:$0x3FD9]  }
0x89: {  	s3 =	sld [smem:$0x3FFE];
	_ =	sdelay $0x1  }
0x8a: {  	s1 =	srdreg.scid  }
0x8b: {  	s0 =	sand.u32 $0x1, s1  }
0x8c: {  	s16 =	sshll.u32 s0, $0xA;
	s2 =	sadd.s32 s3, s2  }
0x8d: {  	s2 =	sadd.s32 s2, s16  }
0x8e: {  	[smem:$0x3FC2] =	sst s2  }
0x8f: {  	_ = 	snop  }
0x90: {  	(tm) =	ssettm $0x1  }
0x91: {  	s17 =	sld [smem:$0x3FFB];
	_ =	sdelay $0x3  }
0x92: {  	_ =	strace s17  }
0x93: {  	s2 =	sld [smem:$0x3FFC];
	_ =	sdelay $0x3  }
0x94: {  	_ =	strace s2  }
0x95: {  	s2 =	sld [smem:$0x3FFD];
	_ =	sdelay $0x3  }
0x96: {  	_ =	strace s2  }
0x97: {  	_ =	strace $0x8FFFFFFF  }
0x98: {  	s18 =	sld [smem:$0x3FDB];
	_ =	sdelay $0x1  }
0x99: {  	s19 =	simm.s32 $_scs_section_size  }
0x9a: {  	s4 =	simm.s32 $_size__tile_overlayer_lowered;
	s5 =	simm.s32 $_tile_overlayer_lowered  }
0x9b: {  	s22 =	simm.s32 $0x1BFF;
	s21 =	sshll.u32 s5, $0x1;
	s2 =	sadd.s32 s19, s18  }
0x9c: {  	s6 =	simm.s32 $0x0;
	s20 =	sshll.u32 s4, $0x1;
	s4 =	sadd.s32 s21, s2  }
0x9d: {  	[timem:s6], [sflag:s22] =	dma.local [hbm:s4], s20  }
0x9e: {  	_ =	swait.ge [sflag:s22], s20  }
0x9f: {  	s3 =	ssub.s32 $0x0, s20;
	[sflag:s22] =	ssyncset.done $0x0  }
0xa0: {  	[sflag:s22] =	ssyncadd.s32 s3;
	_ =	sdelay $0x1  }
0xa1: {  	s23 =	simm.s32 $0x1B8B  }
0xa2: {  	_ =	swait.ge [sflag:s23], $0x1  }
0xa3: {  	[sflag:s23] =	ssyncset.done $0x0  }
0xa4: {  	s25 =	simm.s32 $0x1B8E;
	s24 =	sld [smem:$0x3FFE];
	[sflag:s23] =	ssyncadd.s32 $0xFFFFFFFF  }
0xa5: {  	s26 =	simm.s32 $execute0_lowered;
	[smem:$0x3FD2] =	sst s25  }
0xa6: {  	s4 =	sshll.u32 s26, $0x1;
	_ =	strace $0x8000004C;
	[dreg:$0x1] =	wrdreg $0xFFFFFFFF  }
0xa7: {  	s28 =	simm.s32 $_size_execute0_lowered;
	s2 =	sadd.s32 s2, s4;
	[dreg:$0x0] =	wrdreg $0x0  }
0xa8: {  	s4 =	sshll.u32 s28, $0x1;
	[dreg:$0x2] =	wrdreg s2  }
0xa9: {  	[dreg:$0x3] =	wrdreg s4  }
0xaa: {  	[dreg:$0x4] =	wrdreg $0xC0  }
0xab: {  	_ =	task [dreg:s6], $0x5FFFF  }
0xac: {  	[dreg:$0x1] =	wrdreg $0xFFFFFFFF  }
0xad: {  	[dreg:$0x0] =	wrdreg $0x60  }
0xae: {  	[dreg:$0x2] =	wrdreg s24  }
0xaf: {  	[dreg:$0x3] =	wrdreg $0xB8000  }
0xb0: {  	[dreg:$0x4] =	wrdreg $0x9  }
0xb1: {  	_ =	task.clear_ibuf [dreg:s6], $0x5FFFF;
	_ =	strace $0x9000004C  }
0xb2: {  	s29 =	simm.s32 $0x9;
	_ =	strace $0x8000004E  }
0xb3: {  	_ =	swait.ge [sflag:s29], $0x1  }
0xb4: {  	[sflag:s29] =	ssyncadd.s32 $0xFFFFFFFF  }
0xb5: {  	_ =	strace $0x9000004E  }
0xb6: {  	_ =	sfence  }
0xb7: {  	s30 =	sld [smem:$0x0];
	_ =	sdelay $0x2  }
0xb8: {  	s31 =	sshll.u32 s1, $0xD;
	s1 =	sshrl.u32 s1, $0x2  }
0xb9: {  	s3 =	sand.u32 $0x4000, s31;
	s1 =	sadd.s32 s1, s30  }
0xba: {  	s0 =	sor.u32 s3, s0;
	s1 =	sshll.u32 s1, $0x11  }
0xbb: {  	s0 =	sor.u32 s1, s0  }
0xbc: {  	s0 =	sadd.s32 $0x8F2B, s0  }
0xbd: {  	[sflag:s0] =	ssyncadd.remote.s32 $0x1  }
0xbe: {  	_ =	sfence.sel $0xFFFF  }
0xbf: {  	[dreg:$0x0] =	wrdreg $0xFFFFFFFF;
	(pc) =	sbr.abs _section_cstart, $3  }
0xc0: {  	[dreg:$0x1] =	wrdreg $0xFFFFFFFF  }
0xc1: {  	_ =	task.clear_ibuf [dreg:s6], $0x2FFFF;
	_ =	strace $0x9FFFFFFF  }
0xc2: {  	(tm) =	ssettm $0x7FFFFFFF  }
0xc3: {  	_ =	shalt  }
tec
execute0_lowered:
.L_overlay_start_1:
0x0: {  	(tag) =	ssettag $0x1  }
0x1: {  	s0 =	srdreg.scid  }
0x2: {  	s1 =	rddreg [dreg:$0x0];
	s9 =	stileid.u32  }
0x3: {  	s2 =	rddreg [dreg:$0x1];
	s3 =	simm.s32 $0x0;
	s11 =	simm.s32 $0x80  }
0x4: {  	s12 =	simm.s32 $0x100;
	s13 =	simm.s32 $0x880;
	s14 =	simm.s32 $0x900  }
0x5: {  	s15 =	simm.s32 $0x180;
	s16 =	simm.s32 $0x200;
	s17 =	simm.s32 $0x280  }
0x6: {  	s18 =	simm.s32 $0x980;
	s19 =	simm.s32 $0xA00;
	[smem:$0x7FF] =	sst s3  }
0x7: {  	s20 =	simm.s32 $0xA80;
	_ =	strace $0x8000004D;
	[dreg:$0x5] =	wrdreg s11  }
0x8: {  	s21 =	simm.s32 $0x300;
	s28 =	simm.s32 $0xD80;
	[dreg:$0x6] =	wrdreg s12  }
0x9: {  	s29 =	simm.s32 $0x600;
	s30 =	simm.s32 $0x680;
	[dreg:$0x7] =	wrdreg s13  }
0xa: {  	s31 =	simm.s32 $0x700;
	s5 =	smul.u32 $0x3000, s9;
	[dreg:$0x8] =	wrdreg s14  }
0xb: {  	s0 =	sand.u32 $0x1, s0;
	s22 =	smul.u32 $0x13C00, s9;
	[dreg:$0x9] =	wrdreg s15  }
0xc: {  	s23 =	smul.u32 $0x4F000, s9;
	s10 =	sshll.u32 s9, $0x6;
	[dreg:$0xa] =	wrdreg s16  }
0xd: {  	s9 =	simm.s32 $0x0;
	s4 =	smul.u32 $0x30000, s0;
	[dreg:$0xb] =	wrdreg s17  }
0xe: {  	s7 =	smul.u32 $0x13C000, s0;
	s0 =	ssub.s32 $0x2, s0;
	[dreg:$0xc] =	wrdreg s18  }
0xf: {  	s11 =	simm.s32 $0x800;
	s12 =	simm.s32 $0x70;
	[dreg:$0xd] =	wrdreg s19  }
0x10: {  	s13 =	simm.s32 $0x1000;
	s14 =	simm.s32 $0x4800;
	[dreg:$0xe] =	wrdreg s20  }
0x11: {  	s15 =	simm.s32 $0x8000;
	s16 =	simm.s32 $0x1;
	[dreg:$0xf] =	wrdreg s21  }
0x12: {  	s17 =	simm.s32 $0x2;
	s18 =	simm.s32 $0x3;
	s19 =	simm.s32 $0x4  }
0x13: {  	s20 =	simm.s32 $0x5;
	s21 =	simm.s32 $0x6;
	s8 =	sshrl.u32 s22, $0x3  }
0x14: {  	s24 =	sshrl.u32 s0, $0x1;
	s4 =	sadd.s32 s5, s4;
	s5 =	sadd.s32 s22, s7  }
0x15: {  	s8 =	sadd.s32 s8, s1;
	s7 =	sshrl.u32 s23, $0x2;
	s0 =	ssub.s32 s0, s24  }
0x16: {  	s22 =	simm.s32 $0x380;
	s23 =	simm.s32 $0x400;
	s24 =	simm.s32 $0xB00  }
0x17: {  	s6 =	sshrl.u32 s4, $0x3;
	s4 =	sadd.s32 $0x1AE00, s1;
	[dreg:$0x10] =	wrdreg s22  }
0x18: {  	s5 =	sshrl.u32 s5, $0x3;
	s25 =	sadd.s32 s7, s2;
	[dreg:$0x11] =	wrdreg s23  }
0x19: {  	s8 =	sadd.s32 $0x42600, s8;
	s7 =	sor.u32 $0x1C07, s10;
	[dreg:$0x12] =	wrdreg s24  }
0x1a: {  	s0 =	smax.u32 s0, $0x1;
	s10 =	simm.s32 $0x7;
	[dreg:$0x15] =	wrdreg s8  }
0x1b: {  	s22 =	simm.s32 $0x480;
	s23 =	simm.s32 $0x500;
	[dreg:$0x18] =	wrdreg s0  }
0x1c: {  	s8 =	sshrl.u32 s25, $0x3;
	s25 =	simm.s32 $0xB80;
	[dreg:$0x16] =	wrdreg s7  }
0x1d: {  	s24 =	simm.s32 $0x580;
	s6 =	sadd.s32 s6, s1;
	[dreg:$0x13] =	wrdreg s25  }
0x1e: {  	s1 =	sadd.s32 s5, s1;
	s26 =	sadd.s32 $0x2E00, s6;
	[dreg:$0x19] =	wrdreg s8  }
0x1f: {  	s0 =	simm.s32 $0xE80;
	s6 =	sadd.s32 $0xEE00, s6;
	[dreg:$0x3] =	wrdreg s26  }
0x20: {  	s5 =	simm.s32 $0xF00;
	s1 =	sadd.s32 $0x69E00, s1;
	[dreg:$0x4] =	wrdreg s6  }
0x21: {  	s25 =	simm.s32 $0xC80;
	[dreg:$0x17] =	wrdreg s1;
	s26 =	simm.s32 $0xC00  }
0x22: {  	s1 =	simm.s32 $0xE00;
	[dreg:$0x14] =	wrdreg s26;
	s26 =	simm.s32 $0xD00  }
.LBB2_1:
0x23: {  	[dreg:$0x1a] =	wrdreg s9  }
0x24: {  	s6 =	rddreg [dreg:$0x15]  }
0x25: {  	[spmem:s8], [sflag:s7] =	dma.local [hbm:s6], $0x2780  }
0x26: {  	_ =	swait.ge [sflag:s10], $0x2780  }
0x27: {  	[sflag:s10] =	ssyncset.done $0x0  }
0x28: {  	[sflag:s10] =	ssyncadd.s32 $0xFFFFD880  }
0x29: {  	[bflag:$0x0] =	sbarrier.arrive $0xFFFF  }
0x2a: {  	s7 =	rddreg [dreg:$0x4]  }
0x2b: {  	s6 =	sadd.s32 $0x0, s7  }
0x2c: {  	[tilespmem:s3], [sflag:$0x7] =	stream.linear.gather [hbm4b:s6+s3], $0x780, $0x38;
	[tilespmem:$0x1F400] =	vst v63  }
0x2d: {  	_ =	swait.ge [sflag:s10], $0x780  }
0x2e: {  	s8 =	rddreg [dreg:$0x3];
	[sflag:s10] =	ssyncset.done $0x0  }
0x2f: {  	[sflag:s10] =	ssyncadd.s32 $0xFFFFF880;
	s6 =	sadd.s32 $0x0, s8  }
0x30: {  	[tilespmem:s11], [sflag:$0x7] =	stream.linear.gather [hbm4b:s6+s3], $0x780, $0x38;
	[tilespmem:$0x1F400] =	vst v63  }
0x31: {  	_ =	swait.ge [sflag:s10], $0x780  }
0x32: {  	[sflag:s10] =	ssyncset.done $0x0  }
0x33: {  	[sflag:s10] =	ssyncadd.s32 $0xFFFFF880  }
0x34: {  	[tilespmem:s13], [sflag:$0x1] =	stream.indirect.gather [hbm4b:s4+s12], $0x80, s3, s12, $0xb8;
	[tilespmem:$0x1F400] =	vst v63  }
0x35: {  	s9 =	rddreg [dreg:$0x5]  }
0x36: {  	[tilespmem:s14], [sflag:$0x2] =	stream.indirect.gather [hbm4b:s4+s12], $0x80, s9, s12, $0xb8;
	[tilespmem:$0x1F400] =	vst v63  }
0x37: {  	s7 =	rddreg [dreg:$0x6]  }
0x38: {  	[tilespmem:s15], [sflag:$0x3] =	stream.indirect.gather [hbm4b:s4+s12], $0x80, s7, s12, $0xb8;
	[tilespmem:$0x1F400] =	vst v63  }
0x39: {  	_ =	swait.ge [sflag:s16], $0x3800  }
0x3a: {  	[sflag:s16] =	ssyncset.done $0x0  }
0x3b: {  	[sflag:s16] =	ssyncadd.s32 $0xFFFFC800  }
0x3c: {  	[spmem:s2] =	stream.indirect.scatter.add.f32 [tilespmem:s13], [sflag:$0x4], $0x80, s11, s12, $0xb8;
	[tilespmem:$0x1F400] =	vst v63  }
0x3d: {  	_ =	swait.ge [sflag:s17], $0x3800  }
0x3e: {  	[sflag:s17] =	ssyncset.done $0x0  }
0x3f: {  	s9 =	rddreg [dreg:$0x7];
	[sflag:s17] =	ssyncadd.s32 $0xFFFFC800  }
0x40: {  	[spmem:s2] =	stream.indirect.scatter.add.f32 [tilespmem:s14], [sflag:$0x5], $0x80, s9, s12, $0xb8;
	[tilespmem:$0x1F400] =	vst v63  }
0x41: {  	_ =	swait.ge [sflag:s18], $0x3800  }
0x42: {  	[sflag:s18] =	ssyncset.done $0x0  }
0x43: {  	s7 =	rddreg [dreg:$0x8];
	[sflag:s18] =	ssyncadd.s32 $0xFFFFC800  }
0x44: {  	[spmem:s2] =	stream.indirect.scatter.add.f32 [tilespmem:s15], [sflag:$0x6], $0x80, s7, s12, $0xb8;
	[tilespmem:$0x1F400] =	vst v63  }
0x45: {  	_ =	swait.ge [sflag:s19], $0x3800  }
0x46: {  	[sflag:s19] =	ssyncset.done $0x0  }
0x47: {  	[sflag:s19] =	ssyncadd.s32 $0xFFFFC800  }
0x48: {  	_ =	swait.ge [sflag:s20], $0x3800  }
0x49: {  	[sflag:s20] =	ssyncset.done $0x0  }
0x4a: {  	[sflag:s20] =	ssyncadd.s32 $0xFFFFC800  }
0x4b: {  	_ =	swait.ge [sflag:s21], $0x3800  }
0x4c: {  	[sflag:s21] =	ssyncset.done $0x0  }
0x4d: {  	s8 =	rddreg [dreg:$0x9];
	[sflag:s21] =	ssyncadd.s32 $0xFFFFC800  }
0x4e: {  	[tilespmem:s13], [sflag:$0x1] =	stream.indirect.gather [hbm4b:s4+s12], $0x80, s8, s12, $0xb8;
	[tilespmem:$0x1F400] =	vst v63  }
0x4f: {  	s9 =	rddreg [dreg:$0xa]  }
0x50: {  	[tilespmem:s14], [sflag:$0x2] =	stream.indirect.gather [hbm4b:s4+s12], $0x80, s9, s12, $0xb8;
	[tilespmem:$0x1F400] =	vst v63  }
0x51: {  	s7 =	rddreg [dreg:$0xb]  }
0x52: {  	[tilespmem:s15], [sflag:$0x3] =	stream.indirect.gather [hbm4b:s4+s12], $0x80, s7, s12, $0xb8;
	[tilespmem:$0x1F400] =	vst v63  }
0x53: {  	_ =	swait.ge [sflag:s16], $0x3800  }
0x54: {  	[sflag:s16] =	ssyncset.done $0x0  }
0x55: {  	s9 =	rddreg [dreg:$0xc];
	[sflag:s16] =	ssyncadd.s32 $0xFFFFC800  }
0x56: {  	[spmem:s2] =	stream.indirect.scatter.add.f32 [tilespmem:s13], [sflag:$0x4], $0x80, s9, s12, $0xb8;
	[tilespmem:$0x1F400] =	vst v63  }
0x57: {  	_ =	swait.ge [sflag:s17], $0x3800  }
0x58: {  	[sflag:s17] =	ssyncset.done $0x0  }
0x59: {  	s7 =	rddreg [dreg:$0xd];
	[sflag:s17] =	ssyncadd.s32 $0xFFFFC800  }
0x5a: {  	[spmem:s2] =	stream.indirect.scatter.add.f32 [tilespmem:s14], [sflag:$0x5], $0x80, s7, s12, $0xb8;
	[tilespmem:$0x1F400] =	vst v63  }
0x5b: {  	_ =	swait.ge [sflag:s18], $0x3800  }
0x5c: {  	[sflag:s18] =	ssyncset.done $0x0  }
0x5d: {  	s8 =	rddreg [dreg:$0xe];
	[sflag:s18] =	ssyncadd.s32 $0xFFFFC800  }
0x5e: {  	[spmem:s2] =	stream.indirect.scatter.add.f32 [tilespmem:s15], [sflag:$0x6], $0x80, s8, s12, $0xb8;
	[tilespmem:$0x1F400] =	vst v63  }
0x5f: {  	_ =	swait.ge [sflag:s19], $0x3800  }
0x60: {  	[sflag:s19] =	ssyncset.done $0x0  }
0x61: {  	[sflag:s19] =	ssyncadd.s32 $0xFFFFC800  }
0x62: {  	_ =	swait.ge [sflag:s20], $0x3800  }
0x63: {  	[sflag:s20] =	ssyncset.done $0x0  }
0x64: {  	[sflag:s20] =	ssyncadd.s32 $0xFFFFC800  }
0x65: {  	_ =	swait.ge [sflag:s21], $0x3800  }
0x66: {  	[sflag:s21] =	ssyncset.done $0x0  }
0x67: {  	s9 =	rddreg [dreg:$0xf];
	[sflag:s21] =	ssyncadd.s32 $0xFFFFC800  }
0x68: {  	[tilespmem:s13], [sflag:$0x1] =	stream.indirect.gather [hbm4b:s4+s12], $0x80, s9, s12, $0xb8;
	[tilespmem:$0x1F400] =	vst v63  }
0x69: {  	s7 =	rddreg [dreg:$0x10]  }
0x6a: {  	[tilespmem:s14], [sflag:$0x2] =	stream.indirect.gather [hbm4b:s4+s12], $0x80, s7, s12, $0xb8;
	[tilespmem:$0x1F400] =	vst v63  }
0x6b: {  	s9 =	rddreg [dreg:$0x11]  }
0x6c: {  	[tilespmem:s15], [sflag:$0x3] =	stream.indirect.gather [hbm4b:s4+s12], $0x80, s9, s12, $0xb8;
	[tilespmem:$0x1F400] =	vst v63  }
0x6d: {  	_ =	swait.ge [sflag:s16], $0x3800  }
0x6e: {  	[sflag:s16] =	ssyncset.done $0x0  }
0x6f: {  	s7 =	rddreg [dreg:$0x12];
	[sflag:s16] =	ssyncadd.s32 $0xFFFFC800  }
0x70: {  	[spmem:s2] =	stream.indirect.scatter.add.f32 [tilespmem:s13], [sflag:$0x4], $0x80, s7, s12, $0xb8;
	[tilespmem:$0x1F400] =	vst v63  }
0x71: {  	_ =	swait.ge [sflag:s17], $0x3800  }
0x72: {  	[sflag:s17] =	ssyncset.done $0x0  }
0x73: {  	s8 =	rddreg [dreg:$0x13];
	[sflag:s17] =	ssyncadd.s32 $0xFFFFC800  }
0x74: {  	[spmem:s2] =	stream.indirect.scatter.add.f32 [tilespmem:s14], [sflag:$0x5], $0x80, s8, s12, $0xb8;
	[tilespmem:$0x1F400] =	vst v63  }
0x75: {  	_ =	swait.ge [sflag:s18], $0x3800  }
0x76: {  	[sflag:s18] =	ssyncset.done $0x0  }
0x77: {  	s9 =	rddreg [dreg:$0x14];
	[sflag:s18] =	ssyncadd.s32 $0xFFFFC800  }
0x78: {  	[spmem:s2] =	stream.indirect.scatter.add.f32 [tilespmem:s15], [sflag:$0x6], $0x80, s9, s12, $0xb8;
	[tilespmem:$0x1F400] =	vst v63  }
0x79: {  	_ =	swait.ge [sflag:s19], $0x3800  }
0x7a: {  	[sflag:s19] =	ssyncset.done $0x0  }
0x7b: {  	[sflag:s19] =	ssyncadd.s32 $0xFFFFC800  }
0x7c: {  	_ =	swait.ge [sflag:s20], $0x3800  }
0x7d: {  	[sflag:s20] =	ssyncset.done $0x0  }
0x7e: {  	[sflag:s20] =	ssyncadd.s32 $0xFFFFC800  }
0x7f: {  	_ =	swait.ge [sflag:s21], $0x3800  }
0x80: {  	[sflag:s21] =	ssyncset.done $0x0  }
0x81: {  	[sflag:s21] =	ssyncadd.s32 $0xFFFFC800  }
0x82: {  	[tilespmem:s13], [sflag:$0x1] =	stream.indirect.gather [hbm4b:s4+s12], $0x80, s22, s12, $0xb8;
	[tilespmem:$0x1F400] =	vst v63  }
0x83: {  	_ = 	snop  }
0x84: {  	[tilespmem:s14], [sflag:$0x2] =	stream.indirect.gather [hbm4b:s4+s12], $0x80, s23, s12, $0xb8;
	[tilespmem:$0x1F400] =	vst v63  }
0x85: {  	_ = 	snop  }
0x86: {  	[tilespmem:s15], [sflag:$0x3] =	stream.indirect.gather [hbm4b:s4+s12], $0x80, s24, s12, $0xb8;
	[tilespmem:$0x1F400] =	vst v63  }
0x87: {  	_ =	swait.ge [sflag:s16], $0x3800  }
0x88: {  	[sflag:s16] =	ssyncset.done $0x0  }
0x89: {  	[sflag:s16] =	ssyncadd.s32 $0xFFFFC800  }
0x8a: {  	[spmem:s2] =	stream.indirect.scatter.add.f32 [tilespmem:s13], [sflag:$0x4], $0x80, s25, s12, $0xb8;
	[tilespmem:$0x1F400] =	vst v63  }
0x8b: {  	_ =	swait.ge [sflag:s17], $0x3800  }
0x8c: {  	[sflag:s17] =	ssyncset.done $0x0  }
0x8d: {  	[sflag:s17] =	ssyncadd.s32 $0xFFFFC800  }
0x8e: {  	[spmem:s2] =	stream.indirect.scatter.add.f32 [tilespmem:s14], [sflag:$0x5], $0x80, s26, s12, $0xb8;
	[tilespmem:$0x1F400] =	vst v63  }
0x8f: {  	_ =	swait.ge [sflag:s18], $0x3800  }
0x90: {  	[sflag:s18] =	ssyncset.done $0x0  }
0x91: {  	[sflag:s18] =	ssyncadd.s32 $0xFFFFC800  }
0x92: {  	[spmem:s2] =	stream.indirect.scatter.add.f32 [tilespmem:s15], [sflag:$0x6], $0x80, s28, s12, $0xb8;
	[tilespmem:$0x1F400] =	vst v63  }
0x93: {  	_ =	swait.ge [sflag:s19], $0x3800  }
0x94: {  	[sflag:s19] =	ssyncset.done $0x0  }
0x95: {  	[sflag:s19] =	ssyncadd.s32 $0xFFFFC800  }
0x96: {  	_ =	swait.ge [sflag:s20], $0x3800  }
0x97: {  	[sflag:s20] =	ssyncset.done $0x0  }
0x98: {  	[sflag:s20] =	ssyncadd.s32 $0xFFFFC800  }
0x99: {  	_ =	swait.ge [sflag:s21], $0x3800  }
0x9a: {  	[sflag:s21] =	ssyncset.done $0x0  }
0x9b: {  	[sflag:s21] =	ssyncadd.s32 $0xFFFFC800  }
0x9c: {  	[tilespmem:s13], [sflag:$0x1] =	stream.indirect.gather [hbm4b:s4+s12], $0x80, s29, s12, $0xb8;
	[tilespmem:$0x1F400] =	vst v63  }
0x9d: {  	_ = 	snop  }
0x9e: {  	[tilespmem:s14], [sflag:$0x2] =	stream.indirect.gather [hbm4b:s4+s12], $0x80, s30, s12, $0xb8;
	[tilespmem:$0x1F400] =	vst v63  }
0x9f: {  	_ = 	snop  }
0xa0: {  	[tilespmem:s15], [sflag:$0x3] =	stream.indirect.gather [hbm4b:s4+s12], $0x80, s31, s12, $0xb8;
	[tilespmem:$0x1F400] =	vst v63  }
0xa1: {  	_ =	swait.ge [sflag:s16], $0x3800  }
0xa2: {  	[sflag:s16] =	ssyncset.done $0x0  }
0xa3: {  	[sflag:s16] =	ssyncadd.s32 $0xFFFFC800  }
0xa4: {  	[spmem:s2] =	stream.indirect.scatter.add.f32 [tilespmem:s13], [sflag:$0x4], $0x80, s1, s12, $0xb8;
	[tilespmem:$0x1F400] =	vst v63  }
0xa5: {  	_ =	swait.ge [sflag:s17], $0x3800  }
0xa6: {  	[sflag:s17] =	ssyncset.done $0x0  }
0xa7: {  	[sflag:s17] =	ssyncadd.s32 $0xFFFFC800  }
0xa8: {  	[spmem:s2] =	stream.indirect.scatter.add.f32 [tilespmem:s14], [sflag:$0x5], $0x80, s0, s12, $0xb8;
	[tilespmem:$0x1F400] =	vst v63  }
0xa9: {  	_ =	swait.ge [sflag:s18], $0x3800  }
0xaa: {  	[sflag:s18] =	ssyncset.done $0x0  }
0xab: {  	[sflag:s18] =	ssyncadd.s32 $0xFFFFC800  }
0xac: {  	[spmem:s2] =	stream.indirect.scatter.add.f32 [tilespmem:s15], [sflag:$0x6], $0x80, s5, s12, $0xb8;
	[tilespmem:$0x1F400] =	vst v63  }
0xad: {  	_ =	swait.ge [sflag:s19], $0x3800  }
0xae: {  	[sflag:s19] =	ssyncset.done $0x0  }
0xaf: {  	[sflag:s19] =	ssyncadd.s32 $0xFFFFC800  }
0xb0: {  	_ =	swait.ge [sflag:s20], $0x3800  }
0xb1: {  	[sflag:s20] =	ssyncset.done $0x0  }
0xb2: {  	[sflag:s20] =	ssyncadd.s32 $0xFFFFC800  }
0xb3: {  	s6 =	simm.s32 $0x200;
	_ =	swait.ge [sflag:s21], $0x3800  }
0xb4: {  	s8 =	simm.s32 $0x100;
	s9 =	rddreg [dreg:$0x4];
	[sflag:s21] =	ssyncset.done $0x0  }
.LBB2_2:
0xb5: {  	[sflag:s21] =	ssyncadd.s32 $0xFFFFC800;
	s9 =	sadd.s32 s8, s9  }
0xb6: {  	[tilespmem:s3], [sflag:$0x7] =	stream.linear.gather [hbm4b:s9+s3], $0x780, $0x38;
	[tilespmem:$0x1F400] =	vst v63  }
0xb7: {  	_ =	swait.ge [sflag:s10], $0x780  }
0xb8: {  	s9 =	rddreg [dreg:$0x3];
	[sflag:s10] =	ssyncset.done $0x0  }
0xb9: {  	[sflag:s10] =	ssyncadd.s32 $0xFFFFF880;
	s9 =	sadd.s32 s8, s9  }
0xba: {  	[tilespmem:s11], [sflag:$0x7] =	stream.linear.gather [hbm4b:s9+s3], $0x780, $0x38;
	[tilespmem:$0x1F400] =	vst v63  }
0xbb: {  	_ =	swait.ge [sflag:s10], $0x780  }
0xbc: {  	[sflag:s10] =	ssyncset.done $0x0  }
0xbd: {  	s7 =	smov.u32 s6;
	[sflag:s10] =	ssyncadd.s32 $0xFFFFF880  }
0xbe: {  	[tilespmem:s13], [sflag:$0x1] =	stream.indirect.gather [hbm4b:s4+s12], $0x80, s3, s12, $0xb8;
	[tilespmem:$0x1F400] =	vst v63  }
0xbf: {  	s8 =	smov.u32 s7;
	s7 =	rddreg [dreg:$0x5]  }
0xc0: {  	[tilespmem:s14], [sflag:$0x2] =	stream.indirect.gather [hbm4b:s4+s12], $0x80, s7, s12, $0xb8;
	[tilespmem:$0x1F400] =	vst v63  }
0xc1: {  	s9 =	rddreg [dreg:$0x6]  }
0xc2: {  	[tilespmem:s15], [sflag:$0x3] =	stream.indirect.gather [hbm4b:s4+s12], $0x80, s9, s12, $0xb8;
	[tilespmem:$0x1F400] =	vst v63  }
0xc3: {  	_ =	swait.ge [sflag:s16], $0x3800  }
0xc4: {  	[sflag:s16] =	ssyncset.done $0x0  }
0xc5: {  	[sflag:s16] =	ssyncadd.s32 $0xFFFFC800  }
0xc6: {  	[spmem:s2] =	stream.indirect.scatter.add.f32 [tilespmem:s13], [sflag:$0x4], $0x80, s11, s12, $0xb8;
	[tilespmem:$0x1F400] =	vst v63  }
0xc7: {  	_ =	swait.ge [sflag:s17], $0x3800  }
0xc8: {  	[sflag:s17] =	ssyncset.done $0x0  }
0xc9: {  	s9 =	rddreg [dreg:$0x7];
	[sflag:s17] =	ssyncadd.s32 $0xFFFFC800  }
0xca: {  	[spmem:s2] =	stream.indirect.scatter.add.f32 [tilespmem:s14], [sflag:$0x5], $0x80, s9, s12, $0xb8;
	[tilespmem:$0x1F400] =	vst v63  }
0xcb: {  	_ =	swait.ge [sflag:s18], $0x3800  }
0xcc: {  	[sflag:s18] =	ssyncset.done $0x0  }
0xcd: {  	s9 =	rddreg [dreg:$0x8];
	[sflag:s18] =	ssyncadd.s32 $0xFFFFC800  }
0xce: {  	[spmem:s2] =	stream.indirect.scatter.add.f32 [tilespmem:s15], [sflag:$0x6], $0x80, s9, s12, $0xb8;
	[tilespmem:$0x1F400] =	vst v63  }
0xcf: {  	_ =	swait.ge [sflag:s19], $0x3800  }
0xd0: {  	[sflag:s19] =	ssyncset.done $0x0  }
0xd1: {  	[sflag:s19] =	ssyncadd.s32 $0xFFFFC800  }
0xd2: {  	_ =	swait.ge [sflag:s20], $0x3800  }
0xd3: {  	[sflag:s20] =	ssyncset.done $0x0  }
0xd4: {  	[sflag:s20] =	ssyncadd.s32 $0xFFFFC800  }
0xd5: {  	_ =	swait.ge [sflag:s21], $0x3800  }
0xd6: {  	[sflag:s21] =	ssyncset.done $0x0  }
0xd7: {  	s7 =	rddreg [dreg:$0x9];
	[sflag:s21] =	ssyncadd.s32 $0xFFFFC800  }
0xd8: {  	[tilespmem:s13], [sflag:$0x1] =	stream.indirect.gather [hbm4b:s4+s12], $0x80, s7, s12, $0xb8;
	[tilespmem:$0x1F400] =	vst v63  }
0xd9: {  	s9 =	rddreg [dreg:$0xa]  }
0xda: {  	[tilespmem:s14], [sflag:$0x2] =	stream.indirect.gather [hbm4b:s4+s12], $0x80, s9, s12, $0xb8;
	[tilespmem:$0x1F400] =	vst v63  }
0xdb: {  	s7 =	rddreg [dreg:$0xb]  }
0xdc: {  	[tilespmem:s15], [sflag:$0x3] =	stream.indirect.gather [hbm4b:s4+s12], $0x80, s7, s12, $0xb8;
	[tilespmem:$0x1F400] =	vst v63  }
0xdd: {  	_ =	swait.ge [sflag:s16], $0x3800  }
0xde: {  	[sflag:s16] =	ssyncset.done $0x0  }
0xdf: {  	s9 =	rddreg [dreg:$0xc];
	[sflag:s16] =	ssyncadd.s32 $0xFFFFC800  }
0xe0: {  	[spmem:s2] =	stream.indirect.scatter.add.f32 [tilespmem:s13], [sflag:$0x4], $0x80, s9, s12, $0xb8;
	[tilespmem:$0x1F400] =	vst v63  }
0xe1: {  	_ =	swait.ge [sflag:s17], $0x3800  }
0xe2: {  	[sflag:s17] =	ssyncset.done $0x0  }
0xe3: {  	s9 =	rddreg [dreg:$0xd];
	[sflag:s17] =	ssyncadd.s32 $0xFFFFC800  }
0xe4: {  	[spmem:s2] =	stream.indirect.scatter.add.f32 [tilespmem:s14], [sflag:$0x5], $0x80, s9, s12, $0xb8;
	[tilespmem:$0x1F400] =	vst v63  }
0xe5: {  	_ =	swait.ge [sflag:s18], $0x3800  }
0xe6: {  	[sflag:s18] =	ssyncset.done $0x0  }
0xe7: {  	s9 =	rddreg [dreg:$0xe];
	[sflag:s18] =	ssyncadd.s32 $0xFFFFC800  }
0xe8: {  	[spmem:s2] =	stream.indirect.scatter.add.f32 [tilespmem:s15], [sflag:$0x6], $0x80, s9, s12, $0xb8;
	[tilespmem:$0x1F400] =	vst v63  }
0xe9: {  	_ =	swait.ge [sflag:s19], $0x3800  }
0xea: {  	[sflag:s19] =	ssyncset.done $0x0  }
0xeb: {  	[sflag:s19] =	ssyncadd.s32 $0xFFFFC800  }
0xec: {  	_ =	swait.ge [sflag:s20], $0x3800  }
0xed: {  	[sflag:s20] =	ssyncset.done $0x0  }
0xee: {  	[sflag:s20] =	ssyncadd.s32 $0xFFFFC800  }
0xef: {  	_ =	swait.ge [sflag:s21], $0x3800  }
0xf0: {  	[sflag:s21] =	ssyncset.done $0x0  }
0xf1: {  	s7 =	rddreg [dreg:$0xf];
	[sflag:s21] =	ssyncadd.s32 $0xFFFFC800  }
0xf2: {  	[tilespmem:s13], [sflag:$0x1] =	stream.indirect.gather [hbm4b:s4+s12], $0x80, s7, s12, $0xb8;
	[tilespmem:$0x1F400] =	vst v63  }
0xf3: {  	s9 =	rddreg [dreg:$0x10]  }
0xf4: {  	[tilespmem:s14], [sflag:$0x2] =	stream.indirect.gather [hbm4b:s4+s12], $0x80, s9, s12, $0xb8;
	[tilespmem:$0x1F400] =	vst v63  }
0xf5: {  	s7 =	rddreg [dreg:$0x11]  }
0xf6: {  	[tilespmem:s15], [sflag:$0x3] =	stream.indirect.gather [hbm4b:s4+s12], $0x80, s7, s12, $0xb8;
	[tilespmem:$0x1F400] =	vst v63  }
0xf7: {  	_ =	swait.ge [sflag:s16], $0x3800  }
0xf8: {  	[sflag:s16] =	ssyncset.done $0x0  }
0xf9: {  	s9 =	rddreg [dreg:$0x12];
	[sflag:s16] =	ssyncadd.s32 $0xFFFFC800  }
0xfa: {  	[spmem:s2] =	stream.indirect.scatter.add.f32 [tilespmem:s13], [sflag:$0x4], $0x80, s9, s12, $0xb8;
	[tilespmem:$0x1F400] =	vst v63  }
0xfb: {  	_ =	swait.ge [sflag:s17], $0x3800  }
0xfc: {  	[sflag:s17] =	ssyncset.done $0x0  }
0xfd: {  	s9 =	rddreg [dreg:$0x13];
	[sflag:s17] =	ssyncadd.s32 $0xFFFFC800  }
0xfe: {  	[spmem:s2] =	stream.indirect.scatter.add.f32 [tilespmem:s14], [sflag:$0x5], $0x80, s9, s12, $0xb8;
	[tilespmem:$0x1F400] =	vst v63  }
0xff: {  	_ =	swait.ge [sflag:s18], $0x3800  }
0x100: {  	[sflag:s18] =	ssyncset.done $0x0  }
0x101: {  	s9 =	rddreg [dreg:$0x14];
	[sflag:s18] =	ssyncadd.s32 $0xFFFFC800  }
0x102: {  	[spmem:s2] =	stream.indirect.scatter.add.f32 [tilespmem:s15], [sflag:$0x6], $0x80, s9, s12, $0xb8;
	[tilespmem:$0x1F400] =	vst v63  }
0x103: {  	_ =	swait.ge [sflag:s19], $0x3800  }
0x104: {  	[sflag:s19] =	ssyncset.done $0x0  }
0x105: {  	[sflag:s19] =	ssyncadd.s32 $0xFFFFC800  }
0x106: {  	_ =	swait.ge [sflag:s20], $0x3800  }
0x107: {  	[sflag:s20] =	ssyncset.done $0x0  }
0x108: {  	[sflag:s20] =	ssyncadd.s32 $0xFFFFC800  }
0x109: {  	_ =	swait.ge [sflag:s21], $0x3800  }
0x10a: {  	[sflag:s21] =	ssyncset.done $0x0  }
0x10b: {  	[sflag:s21] =	ssyncadd.s32 $0xFFFFC800  }
0x10c: {  	[tilespmem:s13], [sflag:$0x1] =	stream.indirect.gather [hbm4b:s4+s12], $0x80, s22, s12, $0xb8;
	[tilespmem:$0x1F400] =	vst v63  }
0x10d: {  	_ = 	snop  }
0x10e: {  	[tilespmem:s14], [sflag:$0x2] =	stream.indirect.gather [hbm4b:s4+s12], $0x80, s23, s12, $0xb8;
	[tilespmem:$0x1F400] =	vst v63  }
0x10f: {  	_ = 	snop  }
0x110: {  	[tilespmem:s15], [sflag:$0x3] =	stream.indirect.gather [hbm4b:s4+s12], $0x80, s24, s12, $0xb8;
	[tilespmem:$0x1F400] =	vst v63  }
0x111: {  	_ =	swait.ge [sflag:s16], $0x3800  }
0x112: {  	[sflag:s16] =	ssyncset.done $0x0  }
0x113: {  	[sflag:s16] =	ssyncadd.s32 $0xFFFFC800  }
0x114: {  	[spmem:s2] =	stream.indirect.scatter.add.f32 [tilespmem:s13], [sflag:$0x4], $0x80, s25, s12, $0xb8;
	[tilespmem:$0x1F400] =	vst v63  }
0x115: {  	_ =	swait.ge [sflag:s17], $0x3800  }
0x116: {  	[sflag:s17] =	ssyncset.done $0x0  }
0x117: {  	[sflag:s17] =	ssyncadd.s32 $0xFFFFC800  }
0x118: {  	[spmem:s2] =	stream.indirect.scatter.add.f32 [tilespmem:s14], [sflag:$0x5], $0x80, s26, s12, $0xb8;
	[tilespmem:$0x1F400] =	vst v63  }
0x119: {  	_ =	swait.ge [sflag:s18], $0x3800  }
0x11a: {  	[sflag:s18] =	ssyncset.done $0x0  }
0x11b: {  	[sflag:s18] =	ssyncadd.s32 $0xFFFFC800  }
0x11c: {  	[spmem:s2] =	stream.indirect.scatter.add.f32 [tilespmem:s15], [sflag:$0x6], $0x80, s28, s12, $0xb8;
	[tilespmem:$0x1F400] =	vst v63  }
0x11d: {  	_ =	swait.ge [sflag:s19], $0x3800  }
0x11e: {  	[sflag:s19] =	ssyncset.done $0x0  }
0x11f: {  	[sflag:s19] =	ssyncadd.s32 $0xFFFFC800  }
0x120: {  	_ =	swait.ge [sflag:s20], $0x3800  }
0x121: {  	[sflag:s20] =	ssyncset.done $0x0  }
0x122: {  	[sflag:s20] =	ssyncadd.s32 $0xFFFFC800  }
0x123: {  	_ =	swait.ge [sflag:s21], $0x3800  }
0x124: {  	[sflag:s21] =	ssyncset.done $0x0  }
0x125: {  	[sflag:s21] =	ssyncadd.s32 $0xFFFFC800  }
0x126: {  	[tilespmem:s13], [sflag:$0x1] =	stream.indirect.gather [hbm4b:s4+s12], $0x80, s29, s12, $0xb8;
	[tilespmem:$0x1F400] =	vst v63  }
0x127: {  	_ = 	snop  }
0x128: {  	[tilespmem:s14], [sflag:$0x2] =	stream.indirect.gather [hbm4b:s4+s12], $0x80, s30, s12, $0xb8;
	[tilespmem:$0x1F400] =	vst v63  }
0x129: {  	_ = 	snop  }
0x12a: {  	[tilespmem:s15], [sflag:$0x3] =	stream.indirect.gather [hbm4b:s4+s12], $0x80, s31, s12, $0xb8;
	[tilespmem:$0x1F400] =	vst v63  }
0x12b: {  	_ =	swait.ge [sflag:s16], $0x3800  }
0x12c: {  	[sflag:s16] =	ssyncset.done $0x0  }
0x12d: {  	[sflag:s16] =	ssyncadd.s32 $0xFFFFC800  }
0x12e: {  	[spmem:s2] =	stream.indirect.scatter.add.f32 [tilespmem:s13], [sflag:$0x4], $0x80, s1, s12, $0xb8;
	[tilespmem:$0x1F400] =	vst v63  }
0x12f: {  	_ =	swait.ge [sflag:s17], $0x3800  }
0x130: {  	[sflag:s17] =	ssyncset.done $0x0  }
0x131: {  	[sflag:s17] =	ssyncadd.s32 $0xFFFFC800  }
0x132: {  	[spmem:s2] =	stream.indirect.scatter.add.f32 [tilespmem:s14], [sflag:$0x5], $0x80, s0, s12, $0xb8;
	[tilespmem:$0x1F400] =	vst v63  }
0x133: {  	_ =	swait.ge [sflag:s18], $0x3800  }
0x134: {  	[sflag:s18] =	ssyncset.done $0x0  }
0x135: {  	[sflag:s18] =	ssyncadd.s32 $0xFFFFC800  }
0x136: {  	[spmem:s2] =	stream.indirect.scatter.add.f32 [tilespmem:s15], [sflag:$0x6], $0x80, s5, s12, $0xb8;
	[tilespmem:$0x1F400] =	vst v63  }
0x137: {  	_ =	swait.ge [sflag:s19], $0x3800  }
0x138: {  	[sflag:s19] =	ssyncset.done $0x0  }
0x139: {  	p0 =	sne.s32 s6, $0x500;
	[sflag:s19] =	ssyncadd.s32 $0xFFFFC800  }
.Ltmp0:
0x13a: {  	_ =	swait.ge [sflag:s20], $0x3800;
	(pc) =	sbr.rel @p0 .LBB2_2-.Ltmp0, $4  }
0x13b: {  	[sflag:s20] =	ssyncset.done $0x0  }
0x13c: {  	[sflag:s20] =	ssyncadd.s32 $0xFFFFC800  }
0x13d: {  	_ =	swait.ge [sflag:s21], $0x3800  }
0x13e: {  	s6 =	sadd.s32 $0x100, s6;
	s9 =	rddreg [dreg:$0x4];
	[sflag:s21] =	ssyncset.done $0x0  }
0x13f: {  	[sflag:s21] =	ssyncadd.s32 $0xFFFFC800;
	s6 =	sadd.s32 s8, s9  }
0x140: {  	[tilespmem:s3], [sflag:$0x7] =	stream.linear.gather [hbm4b:s6+s3], $0x780, $0x38;
	[tilespmem:$0x1F400] =	vst v63  }
0x141: {  	_ =	swait.ge [sflag:s10], $0x780  }
0x142: {  	s7 =	rddreg [dreg:$0x3];
	[sflag:s10] =	ssyncset.done $0x0  }
0x143: {  	[sflag:s10] =	ssyncadd.s32 $0xFFFFF880;
	s6 =	sadd.s32 s8, s7  }
0x144: {  	[tilespmem:s11], [sflag:$0x7] =	stream.linear.gather [hbm4b:s6+s3], $0x780, $0x38;
	[tilespmem:$0x1F400] =	vst v63  }
0x145: {  	_ =	swait.ge [sflag:s10], $0x780  }
0x146: {  	[sflag:s10] =	ssyncset.done $0x0  }
0x147: {  	[sflag:s10] =	ssyncadd.s32 $0xFFFFF880  }
0x148: {  	[tilespmem:s13], [sflag:$0x1] =	stream.indirect.gather [hbm4b:s4+s12], $0x80, s3, s12, $0xb8;
	[tilespmem:$0x1F400] =	vst v63  }
0x149: {  	s9 =	rddreg [dreg:$0x5]  }
0x14a: {  	[tilespmem:s14], [sflag:$0x2] =	stream.indirect.gather [hbm4b:s4+s12], $0x80, s9, s12, $0xb8;
	[tilespmem:$0x1F400] =	vst v63  }
0x14b: {  	s7 =	rddreg [dreg:$0x6]  }
0x14c: {  	[tilespmem:s15], [sflag:$0x3] =	stream.indirect.gather [hbm4b:s4+s12], $0x80, s7, s12, $0xb8;
	[tilespmem:$0x1F400] =	vst v63  }
0x14d: {  	_ =	swait.ge [sflag:s16], $0x3800  }
0x14e: {  	[sflag:s16] =	ssyncset.done $0x0  }
0x14f: {  	[sflag:s16] =	ssyncadd.s32 $0xFFFFC800  }
0x150: {  	[spmem:s2] =	stream.indirect.scatter.add.f32 [tilespmem:s13], [sflag:$0x4], $0x80, s11, s12, $0xb8;
	[tilespmem:$0x1F400] =	vst v63  }
0x151: {  	_ =	swait.ge [sflag:s17], $0x3800  }
0x152: {  	[sflag:s17] =	ssyncset.done $0x0  }
0x153: {  	s8 =	rddreg [dreg:$0x7];
	[sflag:s17] =	ssyncadd.s32 $0xFFFFC800  }
0x154: {  	[spmem:s2] =	stream.indirect.scatter.add.f32 [tilespmem:s14], [sflag:$0x5], $0x80, s8, s12, $0xb8;
	[tilespmem:$0x1F400] =	vst v63  }
0x155: {  	_ =	swait.ge [sflag:s18], $0x3800  }
0x156: {  	[sflag:s18] =	ssyncset.done $0x0  }
0x157: {  	s9 =	rddreg [dreg:$0x8];
	[sflag:s18] =	ssyncadd.s32 $0xFFFFC800  }
0x158: {  	[spmem:s2] =	stream.indirect.scatter.add.f32 [tilespmem:s15], [sflag:$0x6], $0x80, s9, s12, $0xb8;
	[tilespmem:$0x1F400] =	vst v63  }
0x159: {  	_ =	swait.ge [sflag:s19], $0x3800  }
0x15a: {  	[sflag:s19] =	ssyncset.done $0x0  }
0x15b: {  	[sflag:s19] =	ssyncadd.s32 $0xFFFFC800  }
0x15c: {  	_ =	swait.ge [sflag:s20], $0x3800  }
0x15d: {  	[sflag:s20] =	ssyncset.done $0x0  }
0x15e: {  	[sflag:s20] =	ssyncadd.s32 $0xFFFFC800  }
0x15f: {  	_ =	swait.ge [sflag:s21], $0x3800  }
0x160: {  	[sflag:s21] =	ssyncset.done $0x0  }
0x161: {  	s7 =	rddreg [dreg:$0x9];
	[sflag:s21] =	ssyncadd.s32 $0xFFFFC800  }
0x162: {  	[tilespmem:s13], [sflag:$0x1] =	stream.indirect.gather [hbm4b:s4+s12], $0x80, s7, s12, $0xb8;
	[tilespmem:$0x1F400] =	vst v63  }
0x163: {  	s8 =	rddreg [dreg:$0xa]  }
0x164: {  	[tilespmem:s14], [sflag:$0x2] =	stream.indirect.gather [hbm4b:s4+s12], $0x80, s8, s12, $0xb8;
	[tilespmem:$0x1F400] =	vst v63  }
0x165: {  	s9 =	rddreg [dreg:$0xb]  }
0x166: {  	[tilespmem:s15], [sflag:$0x3] =	stream.indirect.gather [hbm4b:s4+s12], $0x80, s9, s12, $0xb8;
	[tilespmem:$0x1F400] =	vst v63  }
0x167: {  	_ =	swait.ge [sflag:s16], $0x3800  }
0x168: {  	[sflag:s16] =	ssyncset.done $0x0  }
0x169: {  	s8 =	rddreg [dreg:$0xc];
	[sflag:s16] =	ssyncadd.s32 $0xFFFFC800  }
0x16a: {  	[spmem:s2] =	stream.indirect.scatter.add.f32 [tilespmem:s13], [sflag:$0x4], $0x80, s8, s12, $0xb8;
	[tilespmem:$0x1F400] =	vst v63  }
0x16b: {  	_ =	swait.ge [sflag:s17], $0x3800  }
0x16c: {  	[sflag:s17] =	ssyncset.done $0x0  }
0x16d: {  	s9 =	rddreg [dreg:$0xd];
	[sflag:s17] =	ssyncadd.s32 $0xFFFFC800  }
0x16e: {  	[spmem:s2] =	stream.indirect.scatter.add.f32 [tilespmem:s14], [sflag:$0x5], $0x80, s9, s12, $0xb8;
	[tilespmem:$0x1F400] =	vst v63  }
0x16f: {  	_ =	swait.ge [sflag:s18], $0x3800  }
0x170: {  	[sflag:s18] =	ssyncset.done $0x0  }
0x171: {  	s7 =	rddreg [dreg:$0xe];
	[sflag:s18] =	ssyncadd.s32 $0xFFFFC800  }
0x172: {  	[spmem:s2] =	stream.indirect.scatter.add.f32 [tilespmem:s15], [sflag:$0x6], $0x80, s7, s12, $0xb8;
	[tilespmem:$0x1F400] =	vst v63  }
0x173: {  	_ =	swait.ge [sflag:s19], $0x3800  }
0x174: {  	[sflag:s19] =	ssyncset.done $0x0  }
0x175: {  	[sflag:s19] =	ssyncadd.s32 $0xFFFFC800  }
0x176: {  	_ =	swait.ge [sflag:s20], $0x3800  }
0x177: {  	[sflag:s20] =	ssyncset.done $0x0  }
0x178: {  	[sflag:s20] =	ssyncadd.s32 $0xFFFFC800  }
0x179: {  	_ =	swait.ge [sflag:s21], $0x3800  }
0x17a: {  	[sflag:s21] =	ssyncset.done $0x0  }
0x17b: {  	s8 =	rddreg [dreg:$0xf];
	[sflag:s21] =	ssyncadd.s32 $0xFFFFC800  }
0x17c: {  	[tilespmem:s13], [sflag:$0x1] =	stream.indirect.gather [hbm4b:s4+s12], $0x80, s8, s12, $0xb8;
	[tilespmem:$0x1F400] =	vst v63  }
0x17d: {  	s9 =	rddreg [dreg:$0x10]  }
0x17e: {  	[tilespmem:s14], [sflag:$0x2] =	stream.indirect.gather [hbm4b:s4+s12], $0x80, s9, s12, $0xb8;
	[tilespmem:$0x1F400] =	vst v63  }
0x17f: {  	s8 =	rddreg [dreg:$0x11]  }
0x180: {  	[tilespmem:s15], [sflag:$0x3] =	stream.indirect.gather [hbm4b:s4+s12], $0x80, s8, s12, $0xb8;
	[tilespmem:$0x1F400] =	vst v63  }
0x181: {  	_ =	swait.ge [sflag:s16], $0x3800  }
0x182: {  	[sflag:s16] =	ssyncset.done $0x0  }
0x183: {  	s9 =	rddreg [dreg:$0x12];
	[sflag:s16] =	ssyncadd.s32 $0xFFFFC800  }
0x184: {  	[spmem:s2] =	stream.indirect.scatter.add.f32 [tilespmem:s13], [sflag:$0x4], $0x80, s9, s12, $0xb8;
	[tilespmem:$0x1F400] =	vst v63  }
0x185: {  	_ =	swait.ge [sflag:s17], $0x3800  }
0x186: {  	[sflag:s17] =	ssyncset.done $0x0  }
0x187: {  	s7 =	rddreg [dreg:$0x13];
	[sflag:s17] =	ssyncadd.s32 $0xFFFFC800  }
0x188: {  	[spmem:s2] =	stream.indirect.scatter.add.f32 [tilespmem:s14], [sflag:$0x5], $0x80, s7, s12, $0xb8;
	[tilespmem:$0x1F400] =	vst v63  }
0x189: {  	_ =	swait.ge [sflag:s18], $0x3800  }
0x18a: {  	[sflag:s18] =	ssyncset.done $0x0  }
0x18b: {  	s8 =	rddreg [dreg:$0x14];
	[sflag:s18] =	ssyncadd.s32 $0xFFFFC800  }
0x18c: {  	[spmem:s2] =	stream.indirect.scatter.add.f32 [tilespmem:s15], [sflag:$0x6], $0x80, s8, s12, $0xb8;
	[tilespmem:$0x1F400] =	vst v63  }
0x18d: {  	_ =	swait.ge [sflag:s19], $0x3800  }
0x18e: {  	[sflag:s19] =	ssyncset.done $0x0  }
0x18f: {  	[sflag:s19] =	ssyncadd.s32 $0xFFFFC800  }
0x190: {  	_ =	swait.ge [sflag:s20], $0x3800  }
0x191: {  	[sflag:s20] =	ssyncset.done $0x0  }
0x192: {  	[sflag:s20] =	ssyncadd.s32 $0xFFFFC800  }
0x193: {  	_ =	swait.ge [sflag:s21], $0x3800  }
0x194: {  	[sflag:s21] =	ssyncset.done $0x0  }
0x195: {  	[sflag:s21] =	ssyncadd.s32 $0xFFFFC800  }
0x196: {  	[tilespmem:s13], [sflag:$0x1] =	stream.indirect.gather [hbm4b:s4+s12], $0x80, s22, s12, $0xb8;
	[tilespmem:$0x1F400] =	vst v63  }
0x197: {  	_ = 	snop  }
0x198: {  	[tilespmem:s14], [sflag:$0x2] =	stream.indirect.gather [hbm4b:s4+s12], $0x80, s23, s12, $0xb8;
	[tilespmem:$0x1F400] =	vst v63  }
0x199: {  	_ = 	snop  }
0x19a: {  	[tilespmem:s15], [sflag:$0x3] =	stream.indirect.gather [hbm4b:s4+s12], $0x80, s24, s12, $0xb8;
	[tilespmem:$0x1F400] =	vst v63  }
0x19b: {  	_ =	swait.ge [sflag:s16], $0x3800  }
0x19c: {  	[sflag:s16] =	ssyncset.done $0x0  }
0x19d: {  	[sflag:s16] =	ssyncadd.s32 $0xFFFFC800  }
0x19e: {  	[spmem:s2] =	stream.indirect.scatter.add.f32 [tilespmem:s13], [sflag:$0x4], $0x80, s25, s12, $0xb8;
	[tilespmem:$0x1F400] =	vst v63  }
0x19f: {  	_ =	swait.ge [sflag:s17], $0x3800  }
0x1a0: {  	[sflag:s17] =	ssyncset.done $0x0  }
0x1a1: {  	[sflag:s17] =	ssyncadd.s32 $0xFFFFC800  }
0x1a2: {  	[spmem:s2] =	stream.indirect.scatter.add.f32 [tilespmem:s14], [sflag:$0x5], $0x80, s26, s12, $0xb8;
	[tilespmem:$0x1F400] =	vst v63  }
0x1a3: {  	_ =	swait.ge [sflag:s18], $0x3800  }
0x1a4: {  	[sflag:s18] =	ssyncset.done $0x0  }
0x1a5: {  	[sflag:s18] =	ssyncadd.s32 $0xFFFFC800  }
0x1a6: {  	[spmem:s2] =	stream.indirect.scatter.add.f32 [tilespmem:s15], [sflag:$0x6], $0x80, s28, s12, $0xb8;
	[tilespmem:$0x1F400] =	vst v63  }
0x1a7: {  	_ =	swait.ge [sflag:s19], $0x3800  }
0x1a8: {  	[sflag:s19] =	ssyncset.done $0x0  }
0x1a9: {  	[sflag:s19] =	ssyncadd.s32 $0xFFFFC800  }
0x1aa: {  	_ =	swait.ge [sflag:s20], $0x3800  }
0x1ab: {  	[sflag:s20] =	ssyncset.done $0x0  }
0x1ac: {  	[sflag:s20] =	ssyncadd.s32 $0xFFFFC800  }
0x1ad: {  	_ =	swait.ge [sflag:s21], $0x3800  }
0x1ae: {  	[sflag:s21] =	ssyncset.done $0x0  }
0x1af: {  	[sflag:s21] =	ssyncadd.s32 $0xFFFFC800  }
0x1b0: {  	[tilespmem:s13], [sflag:$0x1] =	stream.indirect.gather [hbm4b:s4+s12], $0x80, s29, s12, $0xb8;
	[tilespmem:$0x1F400] =	vst v63  }
0x1b1: {  	_ = 	snop  }
0x1b2: {  	[tilespmem:s14], [sflag:$0x2] =	stream.indirect.gather [hbm4b:s4+s12], $0x80, s30, s12, $0xb8;
	[tilespmem:$0x1F400] =	vst v63  }
0x1b3: {  	_ = 	snop  }
0x1b4: {  	[tilespmem:s15], [sflag:$0x3] =	stream.indirect.gather [hbm4b:s4+s12], $0x80, s31, s12, $0xb8;
	[tilespmem:$0x1F400] =	vst v63  }
0x1b5: {  	_ =	swait.ge [sflag:s16], $0x3800  }
0x1b6: {  	[sflag:s16] =	ssyncset.done $0x0  }
0x1b7: {  	[sflag:s16] =	ssyncadd.s32 $0xFFFFC800  }
0x1b8: {  	[spmem:s2] =	stream.indirect.scatter.add.f32 [tilespmem:s13], [sflag:$0x4], $0x80, s1, s12, $0xb8;
	[tilespmem:$0x1F400] =	vst v63  }
0x1b9: {  	_ =	swait.ge [sflag:s17], $0x3800  }
0x1ba: {  	[sflag:s17] =	ssyncset.done $0x0  }
0x1bb: {  	[sflag:s17] =	ssyncadd.s32 $0xFFFFC800  }
0x1bc: {  	[spmem:s2] =	stream.indirect.scatter.add.f32 [tilespmem:s14], [sflag:$0x5], $0x80, s0, s12, $0xb8;
	[tilespmem:$0x1F400] =	vst v63  }
0x1bd: {  	_ =	swait.ge [sflag:s18], $0x3800  }
0x1be: {  	[sflag:s18] =	ssyncset.done $0x0  }
0x1bf: {  	[sflag:s18] =	ssyncadd.s32 $0xFFFFC800  }
0x1c0: {  	[spmem:s2] =	stream.indirect.scatter.add.f32 [tilespmem:s15], [sflag:$0x6], $0x80, s5, s12, $0xb8;
	[tilespmem:$0x1F400] =	vst v63  }
0x1c1: {  	_ =	swait.ge [sflag:s19], $0x3800  }
0x1c2: {  	[sflag:s19] =	ssyncset.done $0x0  }
0x1c3: {  	[sflag:s19] =	ssyncadd.s32 $0xFFFFC800  }
0x1c4: {  	_ =	swait.ge [sflag:s20], $0x3800  }
0x1c5: {  	[sflag:s20] =	ssyncset.done $0x0  }
0x1c6: {  	[sflag:s20] =	ssyncadd.s32 $0xFFFFC800  }
0x1c7: {  	_ =	swait.ge [sflag:s21], $0x3800  }
0x1c8: {  	[sflag:s21] =	ssyncset.done $0x0  }
0x1c9: {  	[sflag:s21] =	ssyncadd.s32 $0xFFFFC800  }
0x1ca: {  	[bflag:$0x0] =	sbarrier.arrive $0xFFFF  }
0x1cb: {  	s7 =	rddreg [dreg:$0x16]  }
0x1cc: {  	s9 =	rddreg [dreg:$0x17]  }
0x1cd: {  	s8 =	rddreg [dreg:$0x19]  }
0x1ce: {  	[hbm:s9], [sflag:s7] =	dma.local [spmem:s8], $0x2780  }
0x1cf: {  	_ =	swait.ge [sflag:s10], $0x2780  }
0x1d0: {  	s6 =	rddreg [dreg:$0x1a]  }
0x1d1: {  	s9 =	sadd.s32 $0x1, s6;
	s6 =	rddreg [dreg:$0x18]  }
0x1d2: {  	p0 =	sne.s32 s9, s6  }
.Ltmp1:
0x1d3: {  	_ = 	snop;
	(pc) =	sbr.rel @p0 .LBB2_1-.Ltmp1, $3  }
0x1d4: {  	_ =	sdelay $0x1  }
0x1d5: {  	[sflag:s10] =	ssyncset.done $0x0  }
0x1d6: {  	[sflag:s10] =	ssyncadd.s32 $0xFFFFD880  }
0x1d7: {  	_ =	sfence.sel $0x180000  }
0x1d8: {  	[bflag:$0x0] =	sbarrier.arrive $0xFFFF  }
0x1d9: {  	_ =	strace $0x9000004D  }
0x1da: {  	s0 =	stileid.u32;
	[bflag:$0x2] =	sbarrier.arrive $0xFFFF  }
0x1db: {  	p0 =	sne.s32 s0, $0x0;
	s0 =	rddreg [dreg:$0x2]  }
0x1dc: {  	s0 =	sadd.s32 @!p0 $0x100000, s0  }
0x1dd: {  	[sflag:s0] =	ssyncadd.tile.s32 @!p0 $0x1;
	_ =	shalt  }
.Lfunc_end2:
_tile_overlayer_lowered:
.L_overlay_start_2:
0x1de: {  	(tag) =	ssettag $0x2  }
0x1df: {  	s0 =	rddreg [dreg:$0x0];
	s2 =	stileid.u32  }
0x1e0: {  	s1 =	rddreg [dreg:$0x1];
	p0 =	sne.s32 s2, $0x0  }
0x1e1: {  	s3 =	rddreg [dreg:$0x2];
	[bflag:$0x3] =	sbarrier.arrive $0xFFFF;
	s2 =	simm.s32 @!p0 $0x1C07  }
0x1e2: {  	[timem:s3], [sflag:s2] =	dma.local @!p0 [hbm:s0], s1  }
0x1e3: {  	s0 =	simm.s32 @!p0 $0x7  }
0x1e4: {  	_ =	swait.ge @!p0 [sflag:s0], s1  }
0x1e5: {  	s1 =	ssub.s32 @!p0 $0x0, s1;
	[sflag:s0] =	ssyncset.done @!p0 $0x0  }
0x1e6: {  	[sflag:s0] =	ssyncadd.s32 @!p0 s1  }
0x1e7: {  	[bflag:$0x3] =	sbarrier.arrive $0xFFFF  }
0x1e8: {  	_ =	shalt  }

// kernel: kernel.8.cloned.1.call-start
scs
__scs_entry_jumppad:
0x0: {  	(pc) =	sbr.rel $0x88, $3  }
0x1: {  	(tag) =	ssettag $0x0;
	lr =	simm.s32 $0x1  }
0x2: {  	[smem:$0x3F9B] =	sst lr;
	_ =	strace $0xD0000000  }
0x3: {  	_ = 	snop  }
0x4: {  	_ = 	snop  }
0x5: {  	_ = 	snop  }
0x6: {  	_ = 	snop  }
0x7: {  	_ = 	snop  }
__scs_overlays_trampoline_lowered:
0x8: {  	[smem:$0x3FAA] =	sst s0  }
0x9: {  	[smem:$0x3FAB] =	sst s1  }
0xa: {  	[smem:$0x3FAC] =	sst s2  }
0xb: {  	[smem:$0x3FAD] =	sst s3  }
0xc: {  	[smem:$0x3FAE] =	sst s4  }
0xd: {  	[smem:$0x3FAF] =	sst s5  }
0xe: {  	[smem:$0x3FB0] =	sst s6  }
0xf: {  	[smem:$0x3FB1] =	sst s7  }
0x10: {  	[smem:$0x3FB2] =	sst s8  }
0x11: {  	[smem:$0x3FB3] =	sst s9;
	s0 =	simm.s32 @!p0 $0x0  }
0x12: {  	s1 =	sld [smem:$0x3F99];
	s0 =	simm.s32 @p0 $0x1  }
0x13: {  	[smem:$0x3FB4] =	sst s0;
	s0 =	simm.s32 @!p1 $0x0  }
0x14: {  	s2 =	sld [smem:$0x3F98];
	s0 =	simm.s32 @p1 $0x1  }
0x15: {  	[smem:$0x3FB5] =	sst s0;
	s0 =	simm.s32 @!p2 $0x0  }
0x16: {  	s3 =	sld [smem:$0x3FDB];
	s0 =	simm.s32 @p2 $0x1  }
0x17: {  	s4 =	simm.s32 $0x1BF5;
	[smem:$0x3FB7] =	sst s0  }
0x18: {  	s0 =	sld [smem:$0x3F9A];
	_ =	swait.ge [sflag:s4], $0x0  }
0x19: {  	s7 =	sld [smem:$0x3F9B]  }
0x1a: {  	s8 =	sadd.s32 $0xFFFFE003, lr  }
0x1b: {  	s9 =	sadd.s32 $0xFFFFFEF7, lr;
	s5 =	simm.s32 $0xFFFFFFFF;
	p2 =	slt.u32 s8, $0xFFFFF086  }
0x1c: {  	p1 =	slt.u32 s9, $0xF7A;
	s5 =	simm.s32 @!p2 $0x0  }
0x1d: {  	s5 =	simm.s32 @p1 $0x1;
	p0 =	seq.s32 s7, s2  }
0x1e: {  	s7 =	smul.u32 @!p0 $0xF7A, s2;
	p2 =	seq.s32 @!p0 s5, $0x0  }
0x1f: {  	s9 =	smul.u32 $0xF7A, s1;
	s8 =	simm.s32 @!p0 $0x1BF5;
	p2 =	por !p2, p0  }
0x20: {  	[sflag:s8] =	ssyncset.s32 @!p0 $0xFFFFF086;
	s6 =	sadd.s32 @!p0 s3, s7;
	s7 =	simm.s32 @!p0 $0x108  }
0x21: {  	s3 =	sadd.s32 s3, s9;
	s6 =	sadd.s32 @!p0 $0x88, s6;
	s7 =	simm.s32 @p2 $0x1082  }
0x22: {  	[simem:s7], [sflag:s8] =	dma.local @!p0 [hbm:s6], $0xF7A  }
0x23: {  	s9 =	sor.u32 $0xD0000000, s2;
	s6 =	simm.s32 $0x108;
	_ =	swait.ge @!p0 [sflag:s8], $0x0  }
0x24: {  	s3 =	sadd.s32 $0x88, s3;
	s6 =	simm.s32 @!p1 $0x1082;
	[sflag:s4] =	ssyncset.s32 $0xFFFFF086  }
0x25: {  	[simem:s6], [sflag:s4] =	dma.local [hbm:s3], $0xF7A  }
0x26: {  	[smem:$0x3F9B] =	sst s1;
	(tag) =	ssettag s2;
	_ =	strace s9  }
0x27: {  	s1 =	sld [smem:$0x3FAB]  }
0x28: {  	s2 =	sld [smem:$0x3FAC]  }
0x29: {  	s4 =	sld [smem:$0x3FAE]  }
0x2a: {  	p0 =	seq.s32 s5, $0x0;
	s5 =	sld [smem:$0x3FAF]  }
0x2b: {  	s6 =	sld [smem:$0x3FB0]  }
0x2c: {  	s7 =	sld [smem:$0x3FB1]  }
0x2d: {  	s3 =	simm.s32 $0x108;
	s8 =	sld [smem:$0x3FB2]  }
0x2e: {  	s3 =	simm.s32 @!p0 $0x1082;
	s9 =	sld [smem:$0x3FB3]  }
0x2f: {  	lr =	sadd.s32 s0, s3;
	s0 =	sld [smem:$0x3FAA]  }
0x30: {  	s3 =	sld [smem:$0x3FAD]  }
0x31: {  	[smem:$0x3FB6] =	sst s10  }
0x32: {  	s10 =	sld [smem:$0x3FB4];
	_ =	sdelay $0x3  }
0x33: {  	p0 =	seq.s32 s10, $0x1;
	s10 =	sld [smem:$0x3FB6];
	_ =	sdelay $0x3  }
0x34: {  	[smem:$0x3FB6] =	sst s10  }
0x35: {  	s10 =	sld [smem:$0x3FB5];
	_ =	sdelay $0x3  }
0x36: {  	p1 =	seq.s32 s10, $0x1;
	s10 =	sld [smem:$0x3FB6];
	_ =	sdelay $0x3  }
0x37: {  	[smem:$0x3FB6] =	sst s10  }
0x38: {  	s10 =	sld [smem:$0x3FB7]  }
0x39: {  	_ = 	snop;
	(pc) =	sbr.ind lr, $3  }
0x3a: {  	_ = 	snop  }
0x3b: {  	_ = 	snop  }
0x3c: {  	p2 =	seq.s32 s10, $0x1;
	s10 =	sld [smem:$0x3FB6]  }
0x3d: {  	_ =	shalt  }
0x3e: {  	_ =	shalt  }
0x3f: {  	_ =	shalt  }
0x40: {  	_ =	shalt  }
0x41: {  	_ =	shalt  }
0x42: {  	_ =	shalt  }
0x43: {  	_ =	shalt  }
0x44: {  	_ =	shalt  }
0x45: {  	_ =	shalt  }
0x46: {  	_ =	shalt  }
0x47: {  	_ =	shalt  }
0x48: {  	_ =	shalt  }
0x49: {  	_ =	shalt  }
0x4a: {  	_ =	shalt  }
0x4b: {  	_ =	shalt  }
0x4c: {  	_ =	shalt  }
0x4d: {  	_ =	shalt  }
0x4e: {  	_ =	shalt  }
0x4f: {  	_ =	shalt  }
0x50: {  	_ =	shalt  }
0x51: {  	_ =	shalt  }
0x52: {  	_ =	shalt  }
0x53: {  	_ =	shalt  }
0x54: {  	_ =	shalt  }
0x55: {  	_ =	shalt  }
0x56: {  	_ =	shalt  }
0x57: {  	_ =	shalt  }
0x58: {  	_ =	shalt  }
0x59: {  	_ =	shalt  }
0x5a: {  	_ =	shalt  }
0x5b: {  	_ =	shalt  }
0x5c: {  	_ =	shalt  }
0x5d: {  	_ =	shalt  }
0x5e: {  	_ =	shalt  }
0x5f: {  	_ =	shalt  }
0x60: {  	_ =	shalt  }
0x61: {  	_ =	shalt  }
0x62: {  	_ =	shalt  }
0x63: {  	_ =	shalt  }
0x64: {  	_ =	shalt  }
0x65: {  	_ =	shalt  }
0x66: {  	_ =	shalt  }
0x67: {  	_ =	shalt  }
0x68: {  	_ =	shalt  }
0x69: {  	_ =	shalt  }
0x6a: {  	_ =	shalt  }
0x6b: {  	_ =	shalt  }
0x6c: {  	_ =	shalt  }
0x6d: {  	_ =	shalt  }
0x6e: {  	_ =	shalt  }
0x6f: {  	_ =	shalt  }
0x70: {  	_ =	shalt  }
0x71: {  	_ =	shalt  }
0x72: {  	_ =	shalt  }
0x73: {  	_ =	shalt  }
0x74: {  	_ =	shalt  }
0x75: {  	_ =	shalt  }
0x76: {  	_ =	shalt  }
0x77: {  	_ =	shalt  }
0x78: {  	_ =	shalt  }
0x79: {  	_ =	shalt  }
0x7a: {  	_ =	shalt  }
0x7b: {  	_ =	shalt  }
0x7c: {  	_ =	shalt  }
0x7d: {  	_ =	shalt  }
0x7e: {  	_ =	shalt  }
0x7f: {  	_ =	shalt  }
0x80: {  	_ =	shalt  }
0x81: {  	_ =	shalt  }
0x82: {  	_ =	shalt  }
0x83: {  	_ =	shalt  }
0x84: {  	_ =	shalt  }
0x85: {  	_ =	shalt  }
0x86: {  	_ =	shalt  }
0x87: {  	_ =	shalt  }
.Lfunc_end0:
.L_simem_size_0:
called_computation_lowered:
.L_overlay_start_0:
0x88: {  	s2 =	sld [smem:$0x3FD9]  }
0x89: {  	s3 =	sld [smem:$0x3FFE];
	_ =	sdelay $0x1  }
0x8a: {  	s1 =	srdreg.scid  }
0x8b: {  	s0 =	sand.u32 $0x1, s1  }
0x8c: {  	s17 =	sshll.u32 s0, $0xA;
	s2 =	sadd.s32 s3, s2  }
0x8d: {  	s2 =	sadd.s32 s2, s17  }
0x8e: {  	[smem:$0x3FC2] =	sst s2  }
0x8f: {  	_ = 	snop  }
0x90: {  	s2 =	sld [smem:$0x3FD0];
	(tm) =	ssettm $0x1  }
0x91: {  	s18 =	sld [smem:$0x3FFB];
	_ =	sdelay $0x3  }
0x92: {  	_ =	strace s18  }
0x93: {  	s3 =	sld [smem:$0x3FFC];
	_ =	sdelay $0x3  }
0x94: {  	_ =	strace s3  }
0x95: {  	s3 =	sld [smem:$0x3FFD];
	_ =	sdelay $0x3  }
0x96: {  	_ =	strace s3  }
0x97: {  	_ =	strace $0x8FFFFFFF  }
0x98: {  	s19 =	sld [smem:$0x3FDB];
	_ =	sdelay $0x1  }
0x99: {  	s4 =	simm.s32 $_scs_section_size  }
0x9a: {  	s5 =	simm.s32 $_size__tile_overlayer_lowered;
	s6 =	simm.s32 $_tile_overlayer_lowered  }
0x9b: {  	s22 =	simm.s32 $0x1BFF;
	s21 =	sshll.u32 s6, $0x1;
	s3 =	sadd.s32 s4, s19  }
0x9c: {  	s7 =	simm.s32 $0x0;
	s20 =	sshll.u32 s5, $0x1;
	s5 =	sadd.s32 s21, s3  }
0x9d: {  	[timem:s7], [sflag:s22] =	dma.local [hbm:s5], s20  }
0x9e: {  	_ =	swait.ge [sflag:s22], s20  }
0x9f: {  	s4 =	ssub.s32 $0x0, s20;
	[sflag:s22] =	ssyncset.done $0x0  }
0xa0: {  	[sflag:s22] =	ssyncadd.s32 s4;
	_ =	sdelay $0x1  }
0xa1: {  	s23 =	simm.s32 $0x1B8B  }
0xa2: {  	_ =	swait.ge [sflag:s23], $0x1  }
0xa3: {  	[sflag:s23] =	ssyncset.done $0x0  }
0xa4: {  	s25 =	simm.s32 $0x1B8E;
	s24 =	sld [smem:$0x3FFE];
	[sflag:s23] =	ssyncadd.s32 $0xFFFFFFFF  }
0xa5: {  	s26 =	simm.s32 $execute0_lowered;
	[smem:$0x3FD2] =	sst s25  }
0xa6: {  	s5 =	sshll.u32 s26, $0x1;
	_ =	strace $0x80000046;
	[dreg:$0x1] =	wrdreg $0xFFFFFFFF  }
0xa7: {  	s28 =	simm.s32 $_size_execute0_lowered;
	s3 =	sadd.s32 s3, s5;
	[dreg:$0x0] =	wrdreg $0x0  }
0xa8: {  	s5 =	sshll.u32 s28, $0x1;
	[dreg:$0x2] =	wrdreg s3  }
0xa9: {  	[dreg:$0x3] =	wrdreg s5  }
0xaa: {  	[dreg:$0x4] =	wrdreg $0xC0  }
0xab: {  	_ =	task [dreg:s7], $0x5FFFF  }
0xac: {  	[dreg:$0x1] =	wrdreg $0xFFFFFFFF  }
0xad: {  	[dreg:$0x0] =	wrdreg $0x60  }
0xae: {  	[dreg:$0x2] =	wrdreg s2  }
0xaf: {  	[dreg:$0x3] =	wrdreg s24  }
0xb0: {  	[dreg:$0x4] =	wrdreg $0x30800  }
0xb1: {  	[dreg:$0x5] =	wrdreg $0x9  }
0xb2: {  	_ =	task.clear_ibuf [dreg:s7], $0x6FFFF;
	_ =	strace $0x90000046  }
0xb3: {  	s29 =	simm.s32 $0x9;
	_ =	strace $0x80000048  }
0xb4: {  	_ =	swait.ge [sflag:s29], $0x1  }
0xb5: {  	[sflag:s29] =	ssyncadd.s32 $0xFFFFFFFF  }
0xb6: {  	_ =	strace $0x90000048  }
0xb7: {  	_ =	sfence  }
0xb8: {  	s30 =	sld [smem:$0x0];
	_ =	sdelay $0x2  }
0xb9: {  	s31 =	sshll.u32 s1, $0xD;
	s1 =	sshrl.u32 s1, $0x2  }
0xba: {  	s3 =	sand.u32 $0x4000, s31;
	s1 =	sadd.s32 s1, s30  }
0xbb: {  	s0 =	sor.u32 s3, s0;
	s1 =	sshll.u32 s1, $0x11  }
0xbc: {  	s0 =	sor.u32 s1, s0  }
0xbd: {  	s0 =	sadd.s32 $0x8F2B, s0  }
0xbe: {  	[sflag:s0] =	ssyncadd.remote.s32 $0x1  }
0xbf: {  	_ =	sfence.sel $0xFFFF  }
0xc0: {  	[dreg:$0x0] =	wrdreg $0xFFFFFFFF;
	(pc) =	sbr.abs _section_cstart, $3  }
0xc1: {  	[dreg:$0x1] =	wrdreg $0xFFFFFFFF  }
0xc2: {  	_ =	task.clear_ibuf [dreg:s7], $0x2FFFF;
	_ =	strace $0x9FFFFFFF  }
0xc3: {  	(tm) =	ssettm $0x7FFFFFFF  }
tec
execute0_lowered:
.L_overlay_start_1:
0x0: {  	(tag) =	ssettag $0x1  }
0x1: {  	s4 =	rddreg [dreg:$0x0]  }
0x2: {  	s5 =	rddreg [dreg:$0x1]  }
0x3: {  	s1 =	rddreg [dreg:$0x2];
	s2 =	srdreg.scid  }
0x4: {  	s0 =	rddreg [dreg:$0x3];
	s7 =	stileid.u32  }
0x5: {  	s11 =	simm.s32 $0x1;
	s12 =	simm.s32 $0x2;
	s13 =	simm.s32 $0x3  }
0x6: {  	s14 =	simm.s32 $0x0;
	s3 =	sand.u32 $0x1, s2;
	s2 =	simm.s32 $0x0  }
0x7: {  	p0 =	sne.s32 s7, $0x0;
	s6 =	sshll.u32 s3, $0x4;
	[smem:$0x7FF] =	sst s2  }
0x8: {  	s8 =	ssub.s32 $0x2, s3;
	s3 =	sadd.s32 $0x1E00, s5;
	s30 =	sor.u32 s7, s6  }
0x9: {  	_ =	strace $0x80000047;
	s9 =	sshrl.u32 s8, $0x1;
	s5 =	sadd.s32 s6, s5  }
0xa: {  	s7 =	sshrl.u32 @!p0 s1, $0x3;
	s10 =	smul.u32 $0x600, s30;
	s31 =	ssub.s32 s8, s9  }
0xb: {  	s5 =	sadd.s32 $0x2400, s5;
	s8 =	simm.s32 $0x4;
	s9 =	simm.s32 $0x70  }
0xc: {  	v0 =	vimm.f32 $1.000000000e+00;
	s6 =	smax.u32 s31, $0x1;
	s4 =	sadd.s32 s4, s10;
	s10 =	simm.s32 $0x3000  }
.LBB2_1:
0xd: {  	[tilespmem:$0x3000] =	vst v0  }
0xe: {  	[tilespmem:$0x3010] =	vst v0  }
0xf: {  	[tilespmem:$0x3020] =	vst v0  }
0x10: {  	[tilespmem:$0x3030] =	vst v0  }
0x11: {  	[tilespmem:$0x3040] =	vst v0  }
0x12: {  	[tilespmem:$0x3050] =	vst v0  }
0x13: {  	[tilespmem:$0x3060] =	vst v0;
	s15 =	simm.s32 @!p0 $0x1C04  }
0x14: {  	[spmem:s7], [sflag:s15] =	dma.local @!p0 [hbm:s3], $0x4F0  }
0x15: {  	s15 =	simm.s32 @!p0 $0x4  }
0x16: {  	_ =	swait.ge @!p0 [sflag:s15], $0x4F0  }
0x17: {  	[sflag:s15] =	ssyncset.done @!p0 $0x0  }
0x18: {  	[sflag:s15] =	ssyncadd.s32 @!p0 $0xFFFFFB10  }
0x19: {  	[tilespmem:s2], [sflag:$0x4] =	stream.linear.gather [hbm4b:s4+s2], $0x2D00, $0x38;
	[tilespmem:$0x32F8] =	vst v63  }
0x1a: {  	_ =	swait.ge [sflag:s8], $0x2D00  }
0x1b: {  	[sflag:s8] =	ssyncset.done $0x0  }
0x1c: {  	[sflag:s8] =	ssyncadd.s32 $0xFFFFD300  }
0x1d: {  	s29 =	simm.s32 $0x0;
	[bflag:$0x0] =	sbarrier.arrive $0xFFFF  }
0x1e: {  	[spmem:s1] =	stream.indirect.scatter.add.f32 [tilespmem:s10], [sflag:$0x1], $0x1, s29, s9, $0xb8;
	[tilespmem:$0x32F8] =	vst v63  }
0x1f: {  	s30 =	simm.s32 $0x80  }
0x20: {  	[spmem:s1] =	stream.indirect.scatter.add.f32 [tilespmem:s10], [sflag:$0x2], $0x1, s30, s9, $0xb8;
	[tilespmem:$0x32F8] =	vst v63  }
0x21: {  	s31 =	simm.s32 $0x100  }
0x22: {  	[spmem:s1] =	stream.indirect.scatter.add.f32 [tilespmem:s10], [sflag:$0x3], $0x1, s31, s9, $0xb8;
	[tilespmem:$0x32F8] =	vst v63  }
0x23: {  	_ =	swait.ge [sflag:s11], $0x70  }
0x24: {  	[sflag:s11] =	ssyncset.done $0x0  }
0x25: {  	[sflag:s11] =	ssyncadd.s32 $0xFFFFFF90  }
0x26: {  	_ =	swait.ge [sflag:s12], $0x70  }
0x27: {  	[sflag:s12] =	ssyncset.done $0x0  }
0x28: {  	[sflag:s12] =	ssyncadd.s32 $0xFFFFFF90  }
0x29: {  	_ =	swait.ge [sflag:s13], $0x70  }
0x2a: {  	s16 =	simm.s32 $0xC00;
	s15 =	simm.s32 $0x600;
	[sflag:s13] =	ssyncset.done $0x0  }
.LBB2_2:
0x2b: {  	s17 =	sshra.s32 s15, $0x2  }
0x2c: {  	[sflag:s13] =	ssyncadd.s32 $0xFFFFFF90;
	s15 =	smov.u32 s16;
	s18 =	sadd.s32 $0x600, s16  }
0x2d: {  	[spmem:s1] =	stream.indirect.scatter.add.f32 [tilespmem:s10], [sflag:$0x1], $0x1, s17, s9, $0xb8;
	[tilespmem:$0x32F8] =	vst v63  }
0x2e: {  	p1 =	sne.s32 s16, $0xAE00;
	s16 =	sadd.s32 $0x80, s17  }
0x2f: {  	[spmem:s1] =	stream.indirect.scatter.add.f32 [tilespmem:s10], [sflag:$0x2], $0x1, s16, s9, $0xb8;
	[tilespmem:$0x32F8] =	vst v63  }
0x30: {  	s16 =	sadd.s32 $0x100, s17  }
0x31: {  	[spmem:s1] =	stream.indirect.scatter.add.f32 [tilespmem:s10], [sflag:$0x3], $0x1, s16, s9, $0xb8;
	[tilespmem:$0x32F8] =	vst v63  }
0x32: {  	_ =	swait.ge [sflag:s11], $0x70  }
0x33: {  	[sflag:s11] =	ssyncset.done $0x0  }
0x34: {  	[sflag:s11] =	ssyncadd.s32 $0xFFFFFF90  }
.Ltmp0:
0x35: {  	_ =	swait.ge [sflag:s12], $0x70;
	(pc) =	sbr.rel @p1 .LBB2_2-.Ltmp0, $4  }
0x36: {  	[sflag:s12] =	ssyncset.done $0x0  }
0x37: {  	[sflag:s12] =	ssyncadd.s32 $0xFFFFFF90  }
0x38: {  	_ =	swait.ge [sflag:s13], $0x70  }
0x39: {  	s16 =	smov.u32 s18;
	[sflag:s13] =	ssyncset.done $0x0  }
0x3a: {  	s15 =	sshra.s32 s15, $0x2;
	[sflag:s13] =	ssyncadd.s32 $0xFFFFFF90  }
0x3b: {  	[spmem:s1] =	stream.indirect.scatter.add.f32 [tilespmem:s10], [sflag:$0x1], $0x1, s15, s9, $0xb8;
	[tilespmem:$0x32F8] =	vst v63  }
0x3c: {  	s16 =	sadd.s32 $0x80, s15  }
0x3d: {  	[spmem:s1] =	stream.indirect.scatter.add.f32 [tilespmem:s10], [sflag:$0x2], $0x1, s16, s9, $0xb8;
	[tilespmem:$0x32F8] =	vst v63  }
0x3e: {  	s15 =	sadd.s32 $0x100, s15  }
0x3f: {  	[spmem:s1] =	stream.indirect.scatter.add.f32 [tilespmem:s10], [sflag:$0x3], $0x1, s15, s9, $0xb8;
	[tilespmem:$0x32F8] =	vst v63  }
0x40: {  	_ =	swait.ge [sflag:s11], $0x70  }
0x41: {  	[sflag:s11] =	ssyncset.done $0x0  }
0x42: {  	[sflag:s11] =	ssyncadd.s32 $0xFFFFFF90  }
0x43: {  	_ =	swait.ge [sflag:s12], $0x70  }
0x44: {  	[sflag:s12] =	ssyncset.done $0x0  }
0x45: {  	[sflag:s12] =	ssyncadd.s32 $0xFFFFFF90  }
0x46: {  	_ =	swait.ge [sflag:s13], $0x70  }
0x47: {  	s17 =	simm.s32 @!p0 $0x10;
	s14 =	sadd.s32 $0x1, s14;
	[sflag:s13] =	ssyncset.done $0x0  }
0x48: {  	s18 =	simm.s32 @!p0 $0x1C04;
	p1 =	sne.s32 s14, s6;
	[sflag:s13] =	ssyncadd.s32 $0xFFFFFF90  }
0x49: {  	s16 =	simm.s32 @!p0 $0x20;
	s15 =	simm.s32 @!p0 $0x1;
	[bflag:$0x0] =	sbarrier.arrive $0xFFFF  }
0x4a: {  	[hbm:s5@s16], [sflag:s18] =	dma.strided @!p0 [spmem:s7@s17], $0x4F0, s15, $0x10   }
.Ltmp1:
0x4b: {  	_ = 	snop;
	(pc) =	sbr.rel @p1 .LBB2_1-.Ltmp1, $4  }
0x4c: {  	s15 =	simm.s32 @!p0 $0x4  }
0x4d: {  	_ =	swait.ge @!p0 [sflag:s15], $0x4F0  }
0x4e: {  	[sflag:s15] =	ssyncset.done @!p0 $0x0  }
0x4f: {  	[sflag:s15] =	ssyncadd.s32 @!p0 $0xFFFFFB10  }
0x50: {  	_ =	sfence.sel $0x180000  }
0x51: {  	[bflag:$0x0] =	sbarrier.arrive $0xFFFF  }
0x52: {  	_ =	strace $0x90000047  }
0x53: {  	s0 =	sadd.s32 @!p0 $0x100000, s0;
	[bflag:$0x2] =	sbarrier.arrive $0xFFFF  }
0x54: {  	[sflag:s0] =	ssyncadd.tile.s32 @!p0 $0x1;
	_ =	shalt  }
.Lfunc_end2:
_tile_overlayer_lowered:
.L_overlay_start_2:
0x55: {  	(tag) =	ssettag $0x2  }
0x56: {  	s0 =	rddreg [dreg:$0x0];
	s2 =	stileid.u32  }
0x57: {  	s1 =	rddreg [dreg:$0x1];
	p0 =	sne.s32 s2, $0x0  }
0x58: {  	s3 =	rddreg [dreg:$0x2];
	[bflag:$0x3] =	sbarrier.arrive $0xFFFF;
	s2 =	simm.s32 @!p0 $0x1C04  }
0x59: {  	[timem:s3], [sflag:s2] =	dma.local @!p0 [hbm:s0], s1  }
0x5a: {  	s0 =	simm.s32 @!p0 $0x4  }
0x5b: {  	_ =	swait.ge @!p0 [sflag:s0], s1  }
0x5c: {  	s1 =	ssub.s32 @!p0 $0x0, s1;
	[sflag:s0] =	ssyncset.done @!p0 $0x0  }
0x5d: {  	[sflag:s0] =	ssyncadd.s32 @!p0 s1  }
0x5e: {  	[bflag:$0x3] =	sbarrier.arrive $0xFFFF  }
0x5f: {  	_ =	shalt  }

</sc_bundles>
